<compile_context>
chip_gen: v7x
topology: tpu7x:2x2x1
jax: 0.10.2.dev20260603
libtpu: 0.0.44.dev20260713+nightly
codegen_flags: <defaults>
</compile_context>

<pallas_src>
import jax
import jax.numpy as jnp
from jax import lax
from jax.experimental import pallas as pl
from jax.experimental.pallas import tpu as pltpu
from jax.experimental.pallas import tpu_sc as plsc

NC = 2
NS = 16
L = 16

B = 16
N = 32768
NPOINT = 512
HALF = N // 2
CHUNKS = HALF // L
U = 4

def _lane(vec, lane):
    idx = jnp.full((L,), lane, jnp.int32)
    dnums = lax.GatherDimensionNumbers(
        offset_dims=(), collapsed_slice_dims=(0,), start_index_map=(0,))
    return lax.gather(vec, idx[:, None], dnums, (1,),
                      mode=lax.GatherScatterMode.PROMISE_IN_BOUNDS)[0]


def _fps_body(xyz_hbm, out_hbm, x_ref, y_ref, z_ref, d_ref, idx_ref,
              rec_ref, prec_ref, shared_ref):
    c = lax.axis_index("c")
    s = lax.axis_index("s")
    b = c * (NS // 2) + s // 2
    h = s % 2

    base = (b * 3) * N
    pltpu.sync_copy(xyz_hbm.at[pl.ds(base, N)], x_ref)
    pltpu.sync_copy(xyz_hbm.at[pl.ds(base + N, N)], y_ref)
    pltpu.sync_copy(xyz_hbm.at[pl.ds(base + 2 * N, N)], z_ref)

    iot = lax.iota(jnp.int32, L)

    rec_ref[...] = jnp.full((L,), -2.0, jnp.float32)
    pltpu.sync_copy(rec_ref, shared_ref.at[NS + s, pl.ds(0, L)])

    big = jnp.full((L,), 1e10, jnp.float32)

    def init_body(k, carry):
        d_ref[pl.ds(k * L, L)] = big
        return carry

    lax.fori_loop(0, CHUNKS, init_body, 0)

    def exchange(tag, bv, bj):
        rec = jnp.where(iot == 0, bv,
              jnp.where(iot == 1, bj.astype(jnp.float32), tag))
        rec_ref[...] = rec
        pltpu.sync_copy(rec_ref, shared_ref.at[NS + s, pl.ds(0, L)])
        pltpu.sync_copy(shared_ref.at[NS + (s ^ 1), pl.ds(0, L)], prec_ref)

        def spin_cond(p):
            return p[2] != tag

        def spin_body(p):
            pltpu.sync_copy(shared_ref.at[NS + (s ^ 1), pl.ds(0, L)],
                            prec_ref)
            return prec_ref[...]

        p = lax.while_loop(spin_cond, spin_body, prec_ref[...])
        pv = p[0]
        pj = p[1].astype(jnp.int32)
        take = (pv > bv) | ((pv == bv) & (pj < bj))
        return jnp.where(take, pv, bv), jnp.where(take, pj, bj)

    x0 = x_ref[pl.ds(0, L)][0]
    y0 = y_ref[pl.ds(0, L)][0]
    z0 = z_ref[pl.ds(0, L)][0]

    kv0 = iot + h * HALF
    neg = jnp.full((L,), -1.0, jnp.float32)
    gbase = h * HALF

    def iter_body(i, carry):
        cx, cy, cz, gi, idxacc = carry
        idxacc = jnp.where(iot == i % L, gi, idxacc)

        @pl.when(i % L == L - 1)
        def _():
            idx_ref[pl.ds((i // L) * L, L)] = idxacc

        def chunk_body(k, ch):
            bests, bidxs, kv = ch
            lo = k * (L * U)
            newb = []
            newi = []
            for j in range(U):
                dsl = pl.ds(lo + j * L, L)
                gsl = pl.ds(gbase + lo + j * L, L)
                dx = x_ref[gsl] - cx
                dy = y_ref[gsl] - cy
                dz = z_ref[gsl] - cz
                dist = dx * dx + dy * dy + dz * dz
                nd = jnp.minimum(d_ref[dsl], dist)
                d_ref[dsl] = nd
                kvj = kv + j * L
                m = nd > bests[j]
                newb.append(jnp.where(m, nd, bests[j]))
                newi.append(jnp.where(m, kvj, bidxs[j]))
            return tuple(newb), tuple(newi), kv + L * U

        bests, bidxs, _ = plsc.parallel_loop(
            0, CHUNKS // U, 1, unroll=1,
            carry=((neg,) * U, (kv0,) * U, kv0))(
                lambda k, ch: chunk_body(k, ch))

        def comb(a, bcc):
            b1, i1 = a
            b2, i2 = bcc
            m = (b2 > b1) | ((b2 == b1) & (i2 < i1))
            return jnp.where(m, b2, b1), jnp.where(m, i2, i1)

        acc = list(zip(bests, bidxs))
        while len(acc) > 1:
            acc = [comb(acc[t], acc[t + 1]) for t in range(0, len(acc), 2)]
        best, bidx = acc[0]

        bv = jnp.max(best)
        bj = jnp.min(jnp.where(best == bv, bidx, jnp.int32(N)))
        wv, wj = exchange((i + 1).astype(jnp.float32), bv, bj)

        wchunk = (wj // L) * L
        wlane = wj - wchunk
        ncx = _lane(x_ref[pl.ds(wchunk, L)], wlane)
        ncy = _lane(y_ref[pl.ds(wchunk, L)], wlane)
        ncz = _lane(z_ref[pl.ds(wchunk, L)], wlane)
        return ncx, ncy, ncz, wj, idxacc

    carry0 = (x0, y0, z0, jnp.int32(0), jnp.zeros((L,), jnp.int32))
    lax.fori_loop(0, NPOINT, iter_body, carry0)

    @pl.when(h == 0)
    def _():
        pltpu.sync_copy(idx_ref, out_hbm.at[pl.ds(b * NPOINT, NPOINT)])


_fps_call = pl.kernel(
    _fps_body,
    out_type=jax.ShapeDtypeStruct((B * NPOINT,), jnp.int32),
    mesh=plsc.VectorSubcoreMesh(core_axis_name="c", subcore_axis_name="s"),
    compiler_params=pltpu.CompilerParams(needs_layout_passes=False),
    scratch_types=[
        pltpu.VMEM((N,), jnp.float32),
        pltpu.VMEM((N,), jnp.float32),
        pltpu.VMEM((N,), jnp.float32),
        pltpu.VMEM((HALF,), jnp.float32),
        pltpu.VMEM((NPOINT,), jnp.int32),
        pltpu.VMEM((L,), jnp.float32),
        pltpu.VMEM((L,), jnp.float32),
        pltpu.VMEM_SHARED((2 * NS, 2 * L), jnp.float32),
    ],
)


@jax.jit
def _fps(xyz):
    xt = jnp.transpose(xyz, (0, 2, 1)).reshape(-1)
    return _fps_call(xt).reshape(B, NPOINT)


def kernel(xyz, points):
    del points
    return _fps(xyz)

# --- scband reference (transcript-rebuilt; emitter-appended) ---
"""Pipeline reference for scband-farthest-point-sample-11879879542890 (READ-ONLY COPY).

The authoritative reference and input builder live on the scoring server;
editing this copy changes nothing except your own understanding.
"""

import jax, jax.numpy as jnp
import numpy as np


def setup_inputs(seed: int = 0) -> dict:
    key = jax.random.key(seed)
    xyz = jax.random.normal(key, (16, 32768, 3), dtype=jnp.float32)
    points = 512
    return {"xyz": xyz, "points": points}


def reference(xyz, points):
    B, N, C = xyz.shape
    npoint = 512

    centroids0 = jnp.zeros((B, npoint), dtype=jnp.int32)
    distance0 = jnp.ones((B, N), dtype=xyz.dtype) * 1e10
    farthest0 = jnp.broadcast_to(jnp.mod(points, 1).astype(jnp.int32), (B,))

    def body(i, state):
        centroids, distance, farthest = state
        centroids = centroids.at[:, i].set(farthest)
        # gather centroid coords: xyz[batch_indices, farthest, :] -> [B, 1, 3]
        centroid = jnp.take_along_axis(xyz, farthest[:, None, None].astype(jnp.int32), axis=1)
        dist = jnp.sum((xyz - centroid) ** 2, axis=-1)
        # distance[mask] = dist[mask] where mask = dist < distance
        distance = jnp.where(dist < distance, dist, distance)
        farthest = jnp.argmax(distance, axis=-1).astype(jnp.int32)
        return (centroids, distance, farthest)

    centroids, _, _ = jax.lax.fori_loop(0, npoint, body, (centroids0, distance0, farthest0))
    return centroids

if __name__ == "__main__":
    import jax
    _d = setup_inputs()
    print(jax.jit(kernel)(*tuple(_d.values())))

</pallas_src>

<mosaic_0001>
#map = affine_map<(d0, d1) -> (0)>
module attributes {stable_mosaic.version = 14 : i64} {
  func.func @_fps_body(%arg0: i32, %arg1: i32, %arg2: memref<1572864xf32, #tpu.memory_space<hbm>>, %arg3: memref<8192xi32, #tpu.memory_space<hbm>>, %arg4: memref<32768xf32, #tpu.memory_space<vmem>>, %arg5: memref<32768xf32, #tpu.memory_space<vmem>>, %arg6: memref<32768xf32, #tpu.memory_space<vmem>>, %arg7: memref<16384xf32, #tpu.memory_space<vmem>>, %arg8: memref<512xi32, #tpu.memory_space<vmem>>, %arg9: memref<16xf32, #tpu.memory_space<vmem>>, %arg10: memref<16xf32, #tpu.memory_space<vmem>>, %arg11: memref<32x32xf32, #tpu.memory_space<vmem_shared>>) attributes {dimension_semantics = [#tpu.dimension_semantics<core_parallel>, #tpu.dimension_semantics<subcore_parallel>], iteration_bounds = array<i64: 2, 16>, scalar_prefetch = 0 : i64, scratch_operands = 8 : i64, tpu.core_type = #tpu.core_type<sc_vector_subcore>, window_params = [{transform_indices = #map}, {transform_indices = #map}]} {
    %mul3A = arith.constant 8 : i32
    %mul3A_0 = arith.muli %arg0, %mul3A : i32
    %jit3A = arith.constant 2 : i32
    %div3A = arith.divsi %arg1, %jit3A : i32
    %sign3A = arith.constant 0 : i32
    %sign3A_1 = arith.cmpi sgt, %arg1, %sign3A : i32
    %sign3A_2 = arith.extui %sign3A_1 : i1 to i32
    %sign3A_3 = arith.constant 0 : i32
    %sign3A_4 = arith.cmpi slt, %arg1, %sign3A_3 : i32
    %sign3A_5 = arith.extui %sign3A_4 : i1 to i32
    %sign3A_6 = arith.subi %sign3A_2, %sign3A_5 : i32
    %sign3A_7 = arith.constant 0 : i32
    %sign3A_8 = arith.cmpi sgt, %jit3A, %sign3A_7 : i32
    %sign3A_9 = arith.extui %sign3A_8 : i1 to i32
    %sign3A_10 = arith.constant 0 : i32
    %sign3A_11 = arith.cmpi slt, %jit3A, %sign3A_10 : i32
    %sign3A_12 = arith.extui %sign3A_11 : i1 to i32
    %sign3A_13 = arith.subi %sign3A_9, %sign3A_12 : i32
    %ne3A = arith.cmpi ne, %sign3A_6, %sign3A_13 : i32
    %rem3A = arith.remsi %arg1, %jit3A : i32
    %ne3A_14 = arith.constant 0 : i32
    %ne3A_15 = arith.cmpi ne, %rem3A, %ne3A_14 : i32
    %and3A = arith.andi %ne3A, %ne3A_15 : i1
    %sub3A = arith.constant 1 : i32
    %sub3A_16 = arith.subi %div3A, %sub3A : i32
    %select_n3A = arith.select %and3A, %sub3A_16, %div3A : i32
    %add3A = arith.addi %mul3A_0, %select_n3A : i32
    %jit3A_17 = arith.constant 2 : i32
    %eq3A = arith.constant 0 : i32
    %eq3A_18 = arith.cmpi eq, %jit3A_17, %eq3A : i32
    %jit3A_19 = arith.constant 1 : i32
    %select_n3A_20 = arith.select %eq3A_18, %jit3A_19, %jit3A_17 : i32
    %rem3A_21 = arith.remsi %arg1, %select_n3A_20 : i32
    %ne3A_22 = arith.constant 0 : i32
    %ne3A_23 = arith.cmpi ne, %rem3A_21, %ne3A_22 : i32
    %lt3A = arith.constant 0 : i32
    %lt3A_24 = arith.cmpi slt, %rem3A_21, %lt3A : i32
    %lt3A_25 = arith.constant 0 : i32
    %lt3A_26 = arith.cmpi slt, %select_n3A_20, %lt3A_25 : i32
    %ne3A_27 = arith.xori %lt3A_24, %lt3A_26 : i1
    %and3A_28 = arith.andi %ne3A_27, %ne3A_23 : i1
    %add3A_29 = arith.addi %rem3A_21, %select_n3A_20 : i32
    %select_n3A_30 = arith.select %and3A_28, %add3A_29, %rem3A_21 : i32
    %mul3A_31 = arith.constant 3 : i32
    %mul3A_32 = arith.muli %add3A, %mul3A_31 : i32
    %mul3A_33 = arith.constant 32768 : i32
    %mul3A_34 = arith.muli %mul3A_32, %mul3A_33 : i32
    "tpu.region"() ({
      %run_scoped3A = tpu.sem_alloc : memref<!tpu.dma_semaphore, #tpu.memory_space<semaphore_mem>>
      %dma_start3A = tpu.memref_slice %arg2[%mul3A_34] : memref<1572864xf32, #tpu.memory_space<hbm>> -> memref<32768xf32, #tpu.memory_space<hbm>>
      %dma_start3A_79 = tpu.memref_slice %arg2[%mul3A_34] : memref<1572864xf32, #tpu.memory_space<hbm>> -> memref<32768xf32, #tpu.memory_space<hbm>>
      tpu.enqueue_dma source(%dma_start3A_79 : memref<32768xf32, #tpu.memory_space<hbm>>) target(%arg4 : memref<32768xf32, #tpu.memory_space<vmem>>) target_semaphore(%run_scoped3A : memref<!tpu.dma_semaphore, #tpu.memory_space<semaphore_mem>>)
      %dma_wait3A = tpu.memref_slice %arg2[%mul3A_34] : memref<1572864xf32, #tpu.memory_space<hbm>> -> memref<32768xf32, #tpu.memory_space<hbm>>
      %dma_wait3A_80 = tpu.memref_slice %arg2[%mul3A_34] : memref<1572864xf32, #tpu.memory_space<hbm>> -> memref<32768xf32, #tpu.memory_space<hbm>>
      tpu.wait_dma2 semaphore(%run_scoped3A : memref<!tpu.dma_semaphore, #tpu.memory_space<semaphore_mem>>) src(%dma_wait3A_80 : memref<32768xf32, #tpu.memory_space<hbm>>) dst(%arg4 : memref<32768xf32, #tpu.memory_space<vmem>>)
      tpu.yield
    }) : () -> ()
    %add3A_35 = arith.constant 32768 : i32
    %add3A_36 = arith.addi %mul3A_34, %add3A_35 : i32
    "tpu.region"() ({
      %run_scoped3A = tpu.sem_alloc : memref<!tpu.dma_semaphore, #tpu.memory_space<semaphore_mem>>
      %dma_start3A = tpu.memref_slice %arg2[%add3A_36] : memref<1572864xf32, #tpu.memory_space<hbm>> -> memref<32768xf32, #tpu.memory_space<hbm>>
      %dma_start3A_79 = tpu.memref_slice %arg2[%add3A_36] : memref<1572864xf32, #tpu.memory_space<hbm>> -> memref<32768xf32, #tpu.memory_space<hbm>>
      tpu.enqueue_dma source(%dma_start3A_79 : memref<32768xf32, #tpu.memory_space<hbm>>) target(%arg5 : memref<32768xf32, #tpu.memory_space<vmem>>) target_semaphore(%run_scoped3A : memref<!tpu.dma_semaphore, #tpu.memory_space<semaphore_mem>>)
      %dma_wait3A = tpu.memref_slice %arg2[%add3A_36] : memref<1572864xf32, #tpu.memory_space<hbm>> -> memref<32768xf32, #tpu.memory_space<hbm>>
      %dma_wait3A_80 = tpu.memref_slice %arg2[%add3A_36] : memref<1572864xf32, #tpu.memory_space<hbm>> -> memref<32768xf32, #tpu.memory_space<hbm>>
      tpu.wait_dma2 semaphore(%run_scoped3A : memref<!tpu.dma_semaphore, #tpu.memory_space<semaphore_mem>>) src(%dma_wait3A_80 : memref<32768xf32, #tpu.memory_space<hbm>>) dst(%arg5 : memref<32768xf32, #tpu.memory_space<vmem>>)
      tpu.yield
    }) : () -> ()
    %add3A_37 = arith.constant 65536 : i32
    %add3A_38 = arith.addi %mul3A_34, %add3A_37 : i32
    "tpu.region"() ({
      %run_scoped3A = tpu.sem_alloc : memref<!tpu.dma_semaphore, #tpu.memory_space<semaphore_mem>>
      %dma_start3A = tpu.memref_slice %arg2[%add3A_38] : memref<1572864xf32, #tpu.memory_space<hbm>> -> memref<32768xf32, #tpu.memory_space<hbm>>
      %dma_start3A_79 = tpu.memref_slice %arg2[%add3A_38] : memref<1572864xf32, #tpu.memory_space<hbm>> -> memref<32768xf32, #tpu.memory_space<hbm>>
      tpu.enqueue_dma source(%dma_start3A_79 : memref<32768xf32, #tpu.memory_space<hbm>>) target(%arg6 : memref<32768xf32, #tpu.memory_space<vmem>>) target_semaphore(%run_scoped3A : memref<!tpu.dma_semaphore, #tpu.memory_space<semaphore_mem>>)
      %dma_wait3A = tpu.memref_slice %arg2[%add3A_38] : memref<1572864xf32, #tpu.memory_space<hbm>> -> memref<32768xf32, #tpu.memory_space<hbm>>
      %dma_wait3A_80 = tpu.memref_slice %arg2[%add3A_38] : memref<1572864xf32, #tpu.memory_space<hbm>> -> memref<32768xf32, #tpu.memory_space<hbm>>
      tpu.wait_dma2 semaphore(%run_scoped3A : memref<!tpu.dma_semaphore, #tpu.memory_space<semaphore_mem>>) src(%dma_wait3A_80 : memref<32768xf32, #tpu.memory_space<hbm>>) dst(%arg6 : memref<32768xf32, #tpu.memory_space<vmem>>)
      tpu.yield
    }) : () -> ()
    %iota3A = tpu.iota {dimensions = array<i32: 0>} : vector<16xi32>
    %broadcast_in_dim3A = arith.constant -2.000000e+00 : f32
    %broadcast_in_dim3A_39 = vector.broadcast %broadcast_in_dim3A : f32 to vector<16xf32>
    %swap3A = arith.constant 0 : index
    %swap3A_40 = tpu.vector_load %arg9[%swap3A] {strides = array<i32>} : memref<16xf32, #tpu.memory_space<vmem>>, vector<16xf32>,
    tpu.vector_store %arg9[%swap3A], %broadcast_in_dim3A_39 {strides = array<i32>} : memref<16xf32, #tpu.memory_space<vmem>>, vector<16xf32>,
    %add3A_41 = arith.constant 16 : i32
    %add3A_42 = arith.addi %add3A_41, %arg1 : i32
    "tpu.region"() ({
      %run_scoped3A = tpu.sem_alloc : memref<!tpu.dma_semaphore, #tpu.memory_space<semaphore_mem>>
      %dma_start3A = arith.constant 0 : i32
      %dma_start3A_79 = tpu.memref_slice %arg11[%add3A_42, %dma_start3A] : memref<32x32xf32, #tpu.memory_space<vmem_shared>> -> memref<1x16xf32, #tpu.memory_space<vmem_shared>>
      %dma_start3A_80 = tpu.memref_squeeze %dma_start3A_79 : memref<1x16xf32, #tpu.memory_space<vmem_shared>> -> memref<16xf32, #tpu.memory_space<vmem_shared>>
      %dma_start3A_81 = arith.constant 0 : i32
      %dma_start3A_82 = tpu.memref_slice %arg11[%add3A_42, %dma_start3A_81] : memref<32x32xf32, #tpu.memory_space<vmem_shared>> -> memref<1x16xf32, #tpu.memory_space<vmem_shared>>
      %dma_start3A_83 = tpu.memref_squeeze %dma_start3A_82 : memref<1x16xf32, #tpu.memory_space<vmem_shared>> -> memref<16xf32, #tpu.memory_space<vmem_shared>>
      tpu.enqueue_dma source(%arg9 : memref<16xf32, #tpu.memory_space<vmem>>) target(%dma_start3A_83 : memref<16xf32, #tpu.memory_space<vmem_shared>>) target_semaphore(%run_scoped3A : memref<!tpu.dma_semaphore, #tpu.memory_space<semaphore_mem>>)
      %dma_wait3A = arith.constant 0 : i32
      %dma_wait3A_84 = tpu.memref_slice %arg11[%add3A_42, %dma_wait3A] : memref<32x32xf32, #tpu.memory_space<vmem_shared>> -> memref<1x16xf32, #tpu.memory_space<vmem_shared>>
      %dma_wait3A_85 = tpu.memref_squeeze %dma_wait3A_84 : memref<1x16xf32, #tpu.memory_space<vmem_shared>> -> memref<16xf32, #tpu.memory_space<vmem_shared>>
      %dma_wait3A_86 = arith.constant 0 : i32
      %dma_wait3A_87 = tpu.memref_slice %arg11[%add3A_42, %dma_wait3A_86] : memref<32x32xf32, #tpu.memory_space<vmem_shared>> -> memref<1x16xf32, #tpu.memory_space<vmem_shared>>
      %dma_wait3A_88 = tpu.memref_squeeze %dma_wait3A_87 : memref<1x16xf32, #tpu.memory_space<vmem_shared>> -> memref<16xf32, #tpu.memory_space<vmem_shared>>
      tpu.wait_dma2 semaphore(%run_scoped3A : memref<!tpu.dma_semaphore, #tpu.memory_space<semaphore_mem>>) src(%arg9 : memref<16xf32, #tpu.memory_space<vmem>>) dst(%dma_wait3A_88 : memref<16xf32, #tpu.memory_space<vmem_shared>>)
      tpu.yield
    }) : () -> ()
    %broadcast_in_dim3A_43 = arith.constant 1.000000e+10 : f32
    %broadcast_in_dim3A_44 = vector.broadcast %broadcast_in_dim3A_43 : f32 to vector<16xf32>
    %scan3A = arith.constant 0 : i32
    %scan3A_45 = arith.constant 0 : i32
    %scan3A_46 = arith.constant 1024 : i32
    %scan3A_47 = arith.addi %scan3A_45, %scan3A_46 : i32
    %scan3A_48 = arith.constant 1 : i32
    scf.for %scan3A_79 = %scan3A_45 to %scan3A_47 step %scan3A_48  : i32 {
      %mul3A_80 = arith.constant 16 : i32
      %mul3A_81 = arith.muli %scan3A_79, %mul3A_80 : i32
      %swap3A_82 = arith.index_cast %mul3A_81 : i32 to index
      %swap3A_83 = tpu.vector_load %arg7[%swap3A_82] {strides = array<i32>} : memref<16384xf32, #tpu.memory_space<vmem>>, vector<16xf32>,
      tpu.vector_store %arg7[%swap3A_82], %broadcast_in_dim3A_44 {strides = array<i32>} : memref<16384xf32, #tpu.memory_space<vmem>>, vector<16xf32>,
    }
    %scan3A_49 = arith.constant 1024 : i32
    %get3A = arith.constant 0 : index
    %get3A_50 = tpu.vector_load %arg4[%get3A] {strides = array<i32>} : memref<32768xf32, #tpu.memory_space<vmem>>, vector<16xf32>,
    %slice3A = vector.extract_strided_slice %get3A_50 {offsets = [0], sizes = [1], strides = [1]} : vector<16xf32> to vector<1xf32>
    %squeeze3A = vector.extract %slice3A[0] : f32 from vector<1xf32>
    %get3A_51 = arith.constant 0 : index
    %get3A_52 = tpu.vector_load %arg5[%get3A_51] {strides = array<i32>} : memref<32768xf32, #tpu.memory_space<vmem>>, vector<16xf32>,
    %slice3A_53 = vector.extract_strided_slice %get3A_52 {offsets = [0], sizes = [1], strides = [1]} : vector<16xf32> to vector<1xf32>
    %squeeze3A_54 = vector.extract %slice3A_53[0] : f32 from vector<1xf32>
    %get3A_55 = arith.constant 0 : index
    %get3A_56 = tpu.vector_load %arg6[%get3A_55] {strides = array<i32>} : memref<32768xf32, #tpu.memory_space<vmem>>, vector<16xf32>,
    %slice3A_57 = vector.extract_strided_slice %get3A_56 {offsets = [0], sizes = [1], strides = [1]} : vector<16xf32> to vector<1xf32>
    %squeeze3A_58 = vector.extract %slice3A_57[0] : f32 from vector<1xf32>
    %mul3A_59 = arith.constant 16384 : i32
    %mul3A_60 = arith.muli %select_n3A_30, %mul3A_59 : i32
    %add3A_61 = vector.broadcast %mul3A_60 : i32 to vector<16xi32>
    %add3A_62 = arith.addi %iota3A, %add3A_61 : vector<16xi32>
    %broadcast_in_dim3A_63 = arith.constant -1.000000e+00 : f32
    %broadcast_in_dim3A_64 = vector.broadcast %broadcast_in_dim3A_63 : f32 to vector<16xf32>
    %mul3A_65 = arith.constant 16384 : i32
    %mul3A_66 = arith.muli %select_n3A_30, %mul3A_65 : i32
    %broadcast_in_dim3A_67 = arith.constant 0 : i32
    %broadcast_in_dim3A_68 = vector.broadcast %broadcast_in_dim3A_67 : i32 to vector<16xi32>
    %scan3A_69 = arith.constant 0 : i32
    %scan3A_70 = arith.constant 0 : i32
    %scan3A_71 = arith.constant 512 : i32
    %scan3A_72 = arith.addi %scan3A_70, %scan3A_71 : i32
    %scan3A_73 = arith.constant 1 : i32
    %scan3A_74:5 = scf.for %scan3A_79 = %scan3A_70 to %scan3A_72 step %scan3A_73 iter_args(%scan3A_80 = %squeeze3A, %scan3A_81 = %squeeze3A_54, %scan3A_82 = %squeeze3A_58, %scan3A_83 = %scan3A_69, %scan3A_84 = %broadcast_in_dim3A_68) -> (f32, f32, f32, i32, vector<16xi32>)  : i32 {
      %jit3A_85 = arith.constant 16 : i32
      %eq3A_86 = arith.constant 0 : i32
      %eq3A_87 = arith.cmpi eq, %jit3A_85, %eq3A_86 : i32
      %jit3A_88 = arith.constant 1 : i32
      %select_n3A_89 = arith.select %eq3A_87, %jit3A_88, %jit3A_85 : i32
      %rem3A_90 = arith.remsi %scan3A_79, %select_n3A_89 : i32
      %ne3A_91 = arith.constant 0 : i32
      %ne3A_92 = arith.cmpi ne, %rem3A_90, %ne3A_91 : i32
      %lt3A_93 = arith.constant 0 : i32
      %lt3A_94 = arith.cmpi slt, %rem3A_90, %lt3A_93 : i32
      %lt3A_95 = arith.constant 0 : i32
      %lt3A_96 = arith.cmpi slt, %select_n3A_89, %lt3A_95 : i32
      %ne3A_97 = arith.xori %lt3A_94, %lt3A_96 : i1
      %and3A_98 = arith.andi %ne3A_97, %ne3A_92 : i1
      %add3A_99 = arith.addi %rem3A_90, %select_n3A_89 : i32
      %select_n3A_100 = arith.select %and3A_98, %add3A_99, %rem3A_90 : i32
      %eq3A_101 = vector.broadcast %select_n3A_100 : i32 to vector<16xi32>
      %eq3A_102 = arith.cmpi eq, %iota3A, %eq3A_101 : vector<16xi32>
      %broadcast_in_dim3A_103 = vector.broadcast %scan3A_83 : i32 to vector<16xi32>
      %select_n3A_104 = arith.select %eq3A_102, %broadcast_in_dim3A_103, %scan3A_84 : vector<16xi1>, vector<16xi32>
      %jit3A_105 = arith.constant 16 : i32
      %eq3A_106 = arith.constant 0 : i32
      %eq3A_107 = arith.cmpi eq, %jit3A_105, %eq3A_106 : i32
      %jit3A_108 = arith.constant 1 : i32
      %select_n3A_109 = arith.select %eq3A_107, %jit3A_108, %jit3A_105 : i32
      %rem3A_110 = arith.remsi %scan3A_79, %select_n3A_109 : i32
      %ne3A_111 = arith.constant 0 : i32
      %ne3A_112 = arith.cmpi ne, %rem3A_110, %ne3A_111 : i32
      %lt3A_113 = arith.constant 0 : i32
      %lt3A_114 = arith.cmpi slt, %rem3A_110, %lt3A_113 : i32
      %lt3A_115 = arith.constant 0 : i32
      %lt3A_116 = arith.cmpi slt, %select_n3A_109, %lt3A_115 : i32
      %ne3A_117 = arith.xori %lt3A_114, %lt3A_116 : i1
      %and3A_118 = arith.andi %ne3A_117, %ne3A_112 : i1
      %add3A_119 = arith.addi %rem3A_110, %select_n3A_109 : i32
      %select_n3A_120 = arith.select %and3A_118, %add3A_119, %rem3A_110 : i32
      %eq3A_121 = arith.constant 15 : i32
      %eq3A_122 = arith.cmpi eq, %select_n3A_120, %eq3A_121 : i32
      %convert_element_type3A_123 = arith.extui %eq3A_122 : i1 to i32
      %cond3A_124 = arith.constant 0 : i32
      %cond3A_125 = arith.cmpi ne, %convert_element_type3A_123, %cond3A_124 : i32
      scf.if %cond3A_125 {
        %jit3A_249 = arith.constant 16 : i32
        %div3A_250 = arith.divsi %scan3A_79, %jit3A_249 : i32
        %sign3A_251 = arith.constant 0 : i32
        %sign3A_252 = arith.cmpi sgt, %scan3A_79, %sign3A_251 : i32
        %sign3A_253 = arith.extui %sign3A_252 : i1 to i32
        %sign3A_254 = arith.constant 0 : i32
        %sign3A_255 = arith.cmpi slt, %scan3A_79, %sign3A_254 : i32
        %sign3A_256 = arith.extui %sign3A_255 : i1 to i32
        %sign3A_257 = arith.subi %sign3A_253, %sign3A_256 : i32
        %sign3A_258 = arith.constant 0 : i32
        %sign3A_259 = arith.cmpi sgt, %jit3A_249, %sign3A_258 : i32
        %sign3A_260 = arith.extui %sign3A_259 : i1 to i32
        %sign3A_261 = arith.constant 0 : i32
        %sign3A_262 = arith.cmpi slt, %jit3A_249, %sign3A_261 : i32
        %sign3A_263 = arith.extui %sign3A_262 : i1 to i32
        %sign3A_264 = arith.subi %sign3A_260, %sign3A_263 : i32
        %ne3A_265 = arith.cmpi ne, %sign3A_257, %sign3A_264 : i32
        %rem3A_266 = arith.remsi %scan3A_79, %jit3A_249 : i32
        %ne3A_267 = arith.constant 0 : i32
        %ne3A_268 = arith.cmpi ne, %rem3A_266, %ne3A_267 : i32
        %and3A_269 = arith.andi %ne3A_265, %ne3A_268 : i1
        %sub3A_270 = arith.constant 1 : i32
        %sub3A_271 = arith.subi %div3A_250, %sub3A_270 : i32
        %select_n3A_272 = arith.select %and3A_269, %sub3A_271, %div3A_250 : i32
        %mul3A_273 = arith.constant 16 : i32
        %mul3A_274 = arith.muli %select_n3A_272, %mul3A_273 : i32
        %swap3A_275 = arith.index_cast %mul3A_274 : i32 to index
        %swap3A_276 = tpu.vector_load %arg8[%swap3A_275] {strides = array<i32>} : memref<512xi32, #tpu.memory_space<vmem>>, vector<16xi32>,
        tpu.vector_store %arg8[%swap3A_275], %select_n3A_104 {strides = array<i32>} : memref<512xi32, #tpu.memory_space<vmem>>, vector<16xi32>,
      } else {
      }
      %parallel_loop3A = arith.constant 0 : i32
      %parallel_loop3A_126 = arith.constant 256 : i32
      %parallel_loop3A_127 = arith.constant 1 : i32
      %parallel_loop3A_128:9 = scf.for %parallel_loop3A_249 = %parallel_loop3A to %parallel_loop3A_126 step %parallel_loop3A_127 iter_args(%parallel_loop3A_250 = %broadcast_in_dim3A_64, %parallel_loop3A_251 = %broadcast_in_dim3A_64, %parallel_loop3A_252 = %broadcast_in_dim3A_64, %parallel_loop3A_253 = %broadcast_in_dim3A_64, %parallel_loop3A_254 = %add3A_62, %parallel_loop3A_255 = %add3A_62, %parallel_loop3A_256 = %add3A_62, %parallel_loop3A_257 = %add3A_62, %parallel_loop3A_258 = %add3A_62) -> (vector<16xf32>, vector<16xf32>, vector<16xf32>, vector<16xf32>, vector<16xi32>, vector<16xi32>, vector<16xi32>, vector<16xi32>, vector<16xi32>)  : i32 {
        %parallel_loop3A_259 = arith.constant 64 : i32
        %parallel_loop3A_260 = arith.muli %parallel_loop3A_249, %parallel_loop3A_259 : i32
        %parallel_loop3A_261 = arith.constant 0 : i32
        %parallel_loop3A_262 = arith.addi %parallel_loop3A_260, %parallel_loop3A_261 : i32
        %parallel_loop3A_263 = arith.addi %mul3A_66, %parallel_loop3A_260 : i32
        %parallel_loop3A_264 = arith.constant 0 : i32
        %parallel_loop3A_265 = arith.addi %parallel_loop3A_263, %parallel_loop3A_264 : i32
        %parallel_loop3A_266 = arith.index_cast %parallel_loop3A_265 : i32 to index
        %parallel_loop3A_267 = tpu.vector_load %arg4[%parallel_loop3A_266] {strides = array<i32>} : memref<32768xf32, #tpu.memory_space<vmem>>, vector<16xf32>,
        %parallel_loop3A_268 = vector.broadcast %scan3A_80 : f32 to vector<16xf32>
        %parallel_loop3A_269 = arith.subf %parallel_loop3A_267, %parallel_loop3A_268 : vector<16xf32>
        %parallel_loop3A_270 = arith.index_cast %parallel_loop3A_265 : i32 to index
        %parallel_loop3A_271 = tpu.vector_load %arg5[%parallel_loop3A_270] {strides = array<i32>} : memref<32768xf32, #tpu.memory_space<vmem>>, vector<16xf32>,
        %parallel_loop3A_272 = vector.broadcast %scan3A_81 : f32 to vector<16xf32>
        %parallel_loop3A_273 = arith.subf %parallel_loop3A_271, %parallel_loop3A_272 : vector<16xf32>
        %parallel_loop3A_274 = arith.index_cast %parallel_loop3A_265 : i32 to index
        %parallel_loop3A_275 = tpu.vector_load %arg6[%parallel_loop3A_274] {strides = array<i32>} : memref<32768xf32, #tpu.memory_space<vmem>>, vector<16xf32>,
        %parallel_loop3A_276 = vector.broadcast %scan3A_82 : f32 to vector<16xf32>
        %parallel_loop3A_277 = arith.subf %parallel_loop3A_275, %parallel_loop3A_276 : vector<16xf32>
        %parallel_loop3A_278 = arith.mulf %parallel_loop3A_269, %parallel_loop3A_269 : vector<16xf32>
        %parallel_loop3A_279 = arith.mulf %parallel_loop3A_273, %parallel_loop3A_273 : vector<16xf32>
        %parallel_loop3A_280 = arith.addf %parallel_loop3A_278, %parallel_loop3A_279 : vector<16xf32>
        %parallel_loop3A_281 = arith.mulf %parallel_loop3A_277, %parallel_loop3A_277 : vector<16xf32>
        %parallel_loop3A_282 = arith.addf %parallel_loop3A_280, %parallel_loop3A_281 : vector<16xf32>
        %parallel_loop3A_283 = arith.index_cast %parallel_loop3A_262 : i32 to index
        %parallel_loop3A_284 = tpu.vector_load %arg7[%parallel_loop3A_283] {strides = array<i32>} : memref<16384xf32, #tpu.memory_space<vmem>>, vector<16xf32>,
        %parallel_loop3A_285 = arith.minimumf %parallel_loop3A_284, %parallel_loop3A_282 : vector<16xf32>
        %parallel_loop3A_286 = arith.index_cast %parallel_loop3A_262 : i32 to index
        %parallel_loop3A_287 = tpu.vector_load %arg7[%parallel_loop3A_286] {strides = array<i32>} : memref<16384xf32, #tpu.memory_space<vmem>>, vector<16xf32>,
        tpu.vector_store %arg7[%parallel_loop3A_286], %parallel_loop3A_285 {strides = array<i32>} : memref<16384xf32, #tpu.memory_space<vmem>>, vector<16xf32>,
        %parallel_loop3A_288 = arith.constant 0 : i32
        %parallel_loop3A_289 = vector.broadcast %parallel_loop3A_288 : i32 to vector<16xi32>
        %parallel_loop3A_290 = arith.addi %parallel_loop3A_258, %parallel_loop3A_289 : vector<16xi32>
        %parallel_loop3A_291 = arith.cmpf ogt, %parallel_loop3A_285, %parallel_loop3A_250 : vector<16xf32>
        %parallel_loop3A_292 = arith.select %parallel_loop3A_291, %parallel_loop3A_285, %parallel_loop3A_250 : vector<16xi1>, vector<16xf32>
        %parallel_loop3A_293 = arith.select %parallel_loop3A_291, %parallel_loop3A_290, %parallel_loop3A_254 : vector<16xi1>, vector<16xi32>
        %parallel_loop3A_294 = arith.constant 16 : i32
        %parallel_loop3A_295 = arith.addi %parallel_loop3A_260, %parallel_loop3A_294 : i32
        %parallel_loop3A_296 = arith.addi %mul3A_66, %parallel_loop3A_260 : i32
        %parallel_loop3A_297 = arith.constant 16 : i32
        %parallel_loop3A_298 = arith.addi %parallel_loop3A_296, %parallel_loop3A_297 : i32
        %parallel_loop3A_299 = arith.index_cast %parallel_loop3A_298 : i32 to index
        %parallel_loop3A_300 = tpu.vector_load %arg4[%parallel_loop3A_299] {strides = array<i32>} : memref<32768xf32, #tpu.memory_space<vmem>>, vector<16xf32>,
        %parallel_loop3A_301 = vector.broadcast %scan3A_80 : f32 to vector<16xf32>
        %parallel_loop3A_302 = arith.subf %parallel_loop3A_300, %parallel_loop3A_301 : vector<16xf32>
        %parallel_loop3A_303 = arith.index_cast %parallel_loop3A_298 : i32 to index
        %parallel_loop3A_304 = tpu.vector_load %arg5[%parallel_loop3A_303] {strides = array<i32>} : memref<32768xf32, #tpu.memory_space<vmem>>, vector<16xf32>,
        %parallel_loop3A_305 = vector.broadcast %scan3A_81 : f32 to vector<16xf32>
        %parallel_loop3A_306 = arith.subf %parallel_loop3A_304, %parallel_loop3A_305 : vector<16xf32>
        %parallel_loop3A_307 = arith.index_cast %parallel_loop3A_298 : i32 to index
        %parallel_loop3A_308 = tpu.vector_load %arg6[%parallel_loop3A_307] {strides = array<i32>} : memref<32768xf32, #tpu.memory_space<vmem>>, vector<16xf32>,
        %parallel_loop3A_309 = vector.broadcast %scan3A_82 : f32 to vector<16xf32>
        %parallel_loop3A_310 = arith.subf %parallel_loop3A_308, %parallel_loop3A_309 : vector<16xf32>
        %parallel_loop3A_311 = arith.mulf %parallel_loop3A_302, %parallel_loop3A_302 : vector<16xf32>
        %parallel_loop3A_312 = arith.mulf %parallel_loop3A_306, %parallel_loop3A_306 : vector<16xf32>
        %parallel_loop3A_313 = arith.addf %parallel_loop3A_311, %parallel_loop3A_312 : vector<16xf32>
        %parallel_loop3A_314 = arith.mulf %parallel_loop3A_310, %parallel_loop3A_310 : vector<16xf32>
        %parallel_loop3A_315 = arith.addf %parallel_loop3A_313, %parallel_loop3A_314 : vector<16xf32>
        %parallel_loop3A_316 = arith.index_cast %parallel_loop3A_295 : i32 to index
        %parallel_loop3A_317 = tpu.vector_load %arg7[%parallel_loop3A_316] {strides = array<i32>} : memref<16384xf32, #tpu.memory_space<vmem>>, vector<16xf32>,
        %parallel_loop3A_318 = arith.minimumf %parallel_loop3A_317, %parallel_loop3A_315 : vector<16xf32>
        %parallel_loop3A_319 = arith.index_cast %parallel_loop3A_295 : i32 to index
        %parallel_loop3A_320 = tpu.vector_load %arg7[%parallel_loop3A_319] {strides = array<i32>} : memref<16384xf32, #tpu.memory_space<vmem>>, vector<16xf32>,
        tpu.vector_store %arg7[%parallel_loop3A_319], %parallel_loop3A_318 {strides = array<i32>} : memref<16384xf32, #tpu.memory_space<vmem>>, vector<16xf32>,
        %parallel_loop3A_321 = arith.constant 16 : i32
        %parallel_loop3A_322 = vector.broadcast %parallel_loop3A_321 : i32 to vector<16xi32>
        %parallel_loop3A_323 = arith.addi %parallel_loop3A_258, %parallel_loop3A_322 : vector<16xi32>
        %parallel_loop3A_324 = arith.cmpf ogt, %parallel_loop3A_318, %parallel_loop3A_251 : vector<16xf32>
        %parallel_loop3A_325 = arith.select %parallel_loop3A_324, %parallel_loop3A_318, %parallel_loop3A_251 : vector<16xi1>, vector<16xf32>
        %parallel_loop3A_326 = arith.select %parallel_loop3A_324, %parallel_loop3A_323, %parallel_loop3A_255 : vector<16xi1>, vector<16xi32>
        %parallel_loop3A_327 = arith.constant 32 : i32
        %parallel_loop3A_328 = arith.addi %parallel_loop3A_260, %parallel_loop3A_327 : i32
        %parallel_loop3A_329 = arith.addi %mul3A_66, %parallel_loop3A_260 : i32
        %parallel_loop3A_330 = arith.constant 32 : i32
        %parallel_loop3A_331 = arith.addi %parallel_loop3A_329, %parallel_loop3A_330 : i32
        %parallel_loop3A_332 = arith.index_cast %parallel_loop3A_331 : i32 to index
        %parallel_loop3A_333 = tpu.vector_load %arg4[%parallel_loop3A_332] {strides = array<i32>} : memref<32768xf32, #tpu.memory_space<vmem>>, vector<16xf32>,
        %parallel_loop3A_334 = vector.broadcast %scan3A_80 : f32 to vector<16xf32>
        %parallel_loop3A_335 = arith.subf %parallel_loop3A_333, %parallel_loop3A_334 : vector<16xf32>
        %parallel_loop3A_336 = arith.index_cast %parallel_loop3A_331 : i32 to index
        %parallel_loop3A_337 = tpu.vector_load %arg5[%parallel_loop3A_336] {strides = array<i32>} : memref<32768xf32, #tpu.memory_space<vmem>>, vector<16xf32>,
        %parallel_loop3A_338 = vector.broadcast %scan3A_81 : f32 to vector<16xf32>
        %parallel_loop3A_339 = arith.subf %parallel_loop3A_337, %parallel_loop3A_338 : vector<16xf32>
        %parallel_loop3A_340 = arith.index_cast %parallel_loop3A_331 : i32 to index
        %parallel_loop3A_341 = tpu.vector_load %arg6[%parallel_loop3A_340] {strides = array<i32>} : memref<32768xf32, #tpu.memory_space<vmem>>, vector<16xf32>,
        %parallel_loop3A_342 = vector.broadcast %scan3A_82 : f32 to vector<16xf32>
        %parallel_loop3A_343 = arith.subf %parallel_loop3A_341, %parallel_loop3A_342 : vector<16xf32>
        %parallel_loop3A_344 = arith.mulf %parallel_loop3A_335, %parallel_loop3A_335 : vector<16xf32>
        %parallel_loop3A_345 = arith.mulf %parallel_loop3A_339, %parallel_loop3A_339 : vector<16xf32>
        %parallel_loop3A_346 = arith.addf %parallel_loop3A_344, %parallel_loop3A_345 : vector<16xf32>
        %parallel_loop3A_347 = arith.mulf %parallel_loop3A_343, %parallel_loop3A_343 : vector<16xf32>
        %parallel_loop3A_348 = arith.addf %parallel_loop3A_346, %parallel_loop3A_347 : vector<16xf32>
        %parallel_loop3A_349 = arith.index_cast %parallel_loop3A_328 : i32 to index
        %parallel_loop3A_350 = tpu.vector_load %arg7[%parallel_loop3A_349] {strides = array<i32>} : memref<16384xf32, #tpu.memory_space<vmem>>, vector<16xf32>,
        %parallel_loop3A_351 = arith.minimumf %parallel_loop3A_350, %parallel_loop3A_348 : vector<16xf32>
        %parallel_loop3A_352 = arith.index_cast %parallel_loop3A_328 : i32 to index
        %parallel_loop3A_353 = tpu.vector_load %arg7[%parallel_loop3A_352] {strides = array<i32>} : memref<16384xf32, #tpu.memory_space<vmem>>, vector<16xf32>,
        tpu.vector_store %arg7[%parallel_loop3A_352], %parallel_loop3A_351 {strides = array<i32>} : memref<16384xf32, #tpu.memory_space<vmem>>, vector<16xf32>,
        %parallel_loop3A_354 = arith.constant 32 : i32
        %parallel_loop3A_355 = vector.broadcast %parallel_loop3A_354 : i32 to vector<16xi32>
        %parallel_loop3A_356 = arith.addi %parallel_loop3A_258, %parallel_loop3A_355 : vector<16xi32>
        %parallel_loop3A_357 = arith.cmpf ogt, %parallel_loop3A_351, %parallel_loop3A_252 : vector<16xf32>
        %parallel_loop3A_358 = arith.select %parallel_loop3A_357, %parallel_loop3A_351, %parallel_loop3A_252 : vector<16xi1>, vector<16xf32>
        %parallel_loop3A_359 = arith.select %parallel_loop3A_357, %parallel_loop3A_356, %parallel_loop3A_256 : vector<16xi1>, vector<16xi32>
        %parallel_loop3A_360 = arith.constant 48 : i32
        %parallel_loop3A_361 = arith.addi %parallel_loop3A_260, %parallel_loop3A_360 : i32
        %parallel_loop3A_362 = arith.addi %mul3A_66, %parallel_loop3A_260 : i32
        %parallel_loop3A_363 = arith.constant 48 : i32
        %parallel_loop3A_364 = arith.addi %parallel_loop3A_362, %parallel_loop3A_363 : i32
        %parallel_loop3A_365 = arith.index_cast %parallel_loop3A_364 : i32 to index
        %parallel_loop3A_366 = tpu.vector_load %arg4[%parallel_loop3A_365] {strides = array<i32>} : memref<32768xf32, #tpu.memory_space<vmem>>, vector<16xf32>,
        %parallel_loop3A_367 = vector.broadcast %scan3A_80 : f32 to vector<16xf32>
        %parallel_loop3A_368 = arith.subf %parallel_loop3A_366, %parallel_loop3A_367 : vector<16xf32>
        %parallel_loop3A_369 = arith.index_cast %parallel_loop3A_364 : i32 to index
        %parallel_loop3A_370 = tpu.vector_load %arg5[%parallel_loop3A_369] {strides = array<i32>} : memref<32768xf32, #tpu.memory_space<vmem>>, vector<16xf32>,
        %parallel_loop3A_371 = vector.broadcast %scan3A_81 : f32 to vector<16xf32>
        %parallel_loop3A_372 = arith.subf %parallel_loop3A_370, %parallel_loop3A_371 : vector<16xf32>
        %parallel_loop3A_373 = arith.index_cast %parallel_loop3A_364 : i32 to index
        %parallel_loop3A_374 = tpu.vector_load %arg6[%parallel_loop3A_373] {strides = array<i32>} : memref<32768xf32, #tpu.memory_space<vmem>>, vector<16xf32>,
        %parallel_loop3A_375 = vector.broadcast %scan3A_82 : f32 to vector<16xf32>
        %parallel_loop3A_376 = arith.subf %parallel_loop3A_374, %parallel_loop3A_375 : vector<16xf32>
        %parallel_loop3A_377 = arith.mulf %parallel_loop3A_368, %parallel_loop3A_368 : vector<16xf32>
        %parallel_loop3A_378 = arith.mulf %parallel_loop3A_372, %parallel_loop3A_372 : vector<16xf32>
        %parallel_loop3A_379 = arith.addf %parallel_loop3A_377, %parallel_loop3A_378 : vector<16xf32>
        %parallel_loop3A_380 = arith.mulf %parallel_loop3A_376, %parallel_loop3A_376 : vector<16xf32>
        %parallel_loop3A_381 = arith.addf %parallel_loop3A_379, %parallel_loop3A_380 : vector<16xf32>
        %parallel_loop3A_382 = arith.index_cast %parallel_loop3A_361 : i32 to index
        %parallel_loop3A_383 = tpu.vector_load %arg7[%parallel_loop3A_382] {strides = array<i32>} : memref<16384xf32, #tpu.memory_space<vmem>>, vector<16xf32>,
        %parallel_loop3A_384 = arith.minimumf %parallel_loop3A_383, %parallel_loop3A_381 : vector<16xf32>
        %parallel_loop3A_385 = arith.index_cast %parallel_loop3A_361 : i32 to index
        %parallel_loop3A_386 = tpu.vector_load %arg7[%parallel_loop3A_385] {strides = array<i32>} : memref<16384xf32, #tpu.memory_space<vmem>>, vector<16xf32>,
        tpu.vector_store %arg7[%parallel_loop3A_385], %parallel_loop3A_384 {strides = array<i32>} : memref<16384xf32, #tpu.memory_space<vmem>>, vector<16xf32>,
        %parallel_loop3A_387 = arith.constant 48 : i32
        %parallel_loop3A_388 = vector.broadcast %parallel_loop3A_387 : i32 to vector<16xi32>
        %parallel_loop3A_389 = arith.addi %parallel_loop3A_258, %parallel_loop3A_388 : vector<16xi32>
        %parallel_loop3A_390 = arith.cmpf ogt, %parallel_loop3A_384, %parallel_loop3A_253 : vector<16xf32>
        %parallel_loop3A_391 = arith.select %parallel_loop3A_390, %parallel_loop3A_384, %parallel_loop3A_253 : vector<16xi1>, vector<16xf32>
        %parallel_loop3A_392 = arith.select %parallel_loop3A_390, %parallel_loop3A_389, %parallel_loop3A_257 : vector<16xi1>, vector<16xi32>
        %parallel_loop3A_393 = arith.constant 64 : i32
        %parallel_loop3A_394 = vector.broadcast %parallel_loop3A_393 : i32 to vector<16xi32>
        %parallel_loop3A_395 = arith.addi %parallel_loop3A_258, %parallel_loop3A_394 : vector<16xi32>
        scf.yield %parallel_loop3A_292, %parallel_loop3A_325, %parallel_loop3A_358, %parallel_loop3A_391, %parallel_loop3A_293, %parallel_loop3A_326, %parallel_loop3A_359, %parallel_loop3A_392, %parallel_loop3A_395 : vector<16xf32>, vector<16xf32>, vector<16xf32>, vector<16xf32>, vector<16xi32>, vector<16xi32>, vector<16xi32>, vector<16xi32>, vector<16xi32>
      } {sc.loop_unroll_factor = 1 : i64, sc.parallel_access}
      %gt3A = arith.cmpf ogt, %parallel_loop3A_128#1, %parallel_loop3A_128#0 : vector<16xf32>
      %eq3A_129 = arith.cmpf oeq, %parallel_loop3A_128#1, %parallel_loop3A_128#0 : vector<16xf32>
      %lt3A_130 = arith.cmpi slt, %parallel_loop3A_128#5, %parallel_loop3A_128#4 : vector<16xi32>
      %and3A_131 = arith.andi %eq3A_129, %lt3A_130 : vector<16xi1>
      %or3A = arith.ori %gt3A, %and3A_131 : vector<16xi1>
      %select_n3A_132 = arith.select %or3A, %parallel_loop3A_128#1, %parallel_loop3A_128#0 : vector<16xi1>, vector<16xf32>
      %select_n3A_133 = arith.select %or3A, %parallel_loop3A_128#5, %parallel_loop3A_128#4 : vector<16xi1>, vector<16xi32>
      %gt3A_134 = arith.cmpf ogt, %parallel_loop3A_128#3, %parallel_loop3A_128#2 : vector<16xf32>
      %eq3A_135 = arith.cmpf oeq, %parallel_loop3A_128#3, %parallel_loop3A_128#2 : vector<16xf32>
      %lt3A_136 = arith.cmpi slt, %parallel_loop3A_128#7, %parallel_loop3A_128#6 : vector<16xi32>
      %and3A_137 = arith.andi %eq3A_135, %lt3A_136 : vector<16xi1>
      %or3A_138 = arith.ori %gt3A_134, %and3A_137 : vector<16xi1>
      %select_n3A_139 = arith.select %or3A_138, %parallel_loop3A_128#3, %parallel_loop3A_128#2 : vector<16xi1>, vector<16xf32>
      %select_n3A_140 = arith.select %or3A_138, %parallel_loop3A_128#7, %parallel_loop3A_128#6 : vector<16xi1>, vector<16xi32>
      %gt3A_141 = arith.cmpf ogt, %select_n3A_139, %select_n3A_132 : vector<16xf32>
      %eq3A_142 = arith.cmpf oeq, %select_n3A_139, %select_n3A_132 : vector<16xf32>
      %lt3A_143 = arith.cmpi slt, %select_n3A_140, %select_n3A_133 : vector<16xi32>
      %and3A_144 = arith.andi %eq3A_142, %lt3A_143 : vector<16xi1>
      %or3A_145 = arith.ori %gt3A_141, %and3A_144 : vector<16xi1>
      %select_n3A_146 = arith.select %or3A_145, %select_n3A_139, %select_n3A_132 : vector<16xi1>, vector<16xf32>
      %select_n3A_147 = arith.select %or3A_145, %select_n3A_140, %select_n3A_133 : vector<16xi1>, vector<16xi32>
      %reduce_max3A = arith.constant true
      %reduce_max3A_148 = vector.broadcast %reduce_max3A : i1 to vector<16xi1>
      %reduce_max3A_149 = tpu.scan <max>, %select_n3A_146 masked %reduce_max3A_148 : vector<16xf32>, vector<16xi1> -> vector<16xf32>
      %reduce_max3A_150 = vector.extract %reduce_max3A_149[15] : f32 from vector<16xf32>
      %eq3A_151 = vector.broadcast %reduce_max3A_150 : f32 to vector<16xf32>
      %eq3A_152 = arith.cmpf oeq, %select_n3A_146, %eq3A_151 : vector<16xf32>
      %jit3A_153 = arith.constant 32768 : i32
      %broadcast_in_dim3A_154 = vector.broadcast %jit3A_153 : i32 to vector<16xi32>
      %select_n3A_155 = arith.select %eq3A_152, %select_n3A_147, %broadcast_in_dim3A_154 : vector<16xi1>, vector<16xi32>
      %reduce_min3A = arith.constant true
      %reduce_min3A_156 = vector.broadcast %reduce_min3A : i1 to vector<16xi1>
      %reduce_min3A_157 = arith.constant -2147483648 : i32
      %reduce_min3A_158 = vector.broadcast %reduce_min3A_157 : i32 to vector<16xi32>
      %reduce_min3A_159 = arith.xori %select_n3A_155, %reduce_min3A_158 : vector<16xi32>
      %reduce_min3A_160 = tpu.scan <min>, %reduce_min3A_159 masked %reduce_min3A_156 : vector<16xi32>, vector<16xi1> -> vector<16xi32>
      %reduce_min3A_161 = arith.xori %reduce_min3A_160, %reduce_min3A_158 : vector<16xi32>
      %reduce_min3A_162 = vector.extract %reduce_min3A_161[15] : i32 from vector<16xi32>
      %add3A_163 = arith.constant 1 : i32
      %add3A_164 = arith.addi %scan3A_79, %add3A_163 : i32
      %convert_element_type3A_165 = arith.sitofp %add3A_164 : i32 to f32
      %eq3A_166 = arith.constant 0 : i32
      %eq3A_167 = vector.broadcast %eq3A_166 : i32 to vector<16xi32>
      %eq3A_168 = arith.cmpi eq, %iota3A, %eq3A_167 : vector<16xi32>
      %eq3A_169 = arith.constant 1 : i32
      %eq3A_170 = vector.broadcast %eq3A_169 : i32 to vector<16xi32>
      %eq3A_171 = arith.cmpi eq, %iota3A, %eq3A_170 : vector<16xi32>
      %convert_element_type3A_172 = arith.sitofp %reduce_min3A_162 : i32 to f32
      %broadcast_in_dim3A_173 = vector.broadcast %convert_element_type3A_172 : f32 to vector<16xf32>
      %broadcast_in_dim3A_174 = vector.broadcast %convert_element_type3A_165 : f32 to vector<16xf32>
      %select_n3A_175 = arith.select %eq3A_171, %broadcast_in_dim3A_173, %broadcast_in_dim3A_174 : vector<16xi1>, vector<16xf32>
      %broadcast_in_dim3A_176 = vector.broadcast %reduce_max3A_150 : f32 to vector<16xf32>
      %select_n3A_177 = arith.select %eq3A_168, %broadcast_in_dim3A_176, %select_n3A_175 : vector<16xi1>, vector<16xf32>
      %swap3A_178 = arith.constant 0 : index
      %swap3A_179 = tpu.vector_load %arg9[%swap3A_178] {strides = array<i32>} : memref<16xf32, #tpu.memory_space<vmem>>, vector<16xf32>,
      tpu.vector_store %arg9[%swap3A_178], %select_n3A_177 {strides = array<i32>} : memref<16xf32, #tpu.memory_space<vmem>>, vector<16xf32>,
      %add3A_180 = arith.constant 16 : i32
      %add3A_181 = arith.addi %add3A_180, %arg1 : i32
      "tpu.region"() ({
        %run_scoped3A = tpu.sem_alloc : memref<!tpu.dma_semaphore, #tpu.memory_space<semaphore_mem>>
        %dma_start3A = arith.constant 0 : i32
        %dma_start3A_249 = tpu.memref_slice %arg11[%add3A_181, %dma_start3A] : memref<32x32xf32, #tpu.memory_space<vmem_shared>> -> memref<1x16xf32, #tpu.memory_space<vmem_shared>>
        %dma_start3A_250 = tpu.memref_squeeze %dma_start3A_249 : memref<1x16xf32, #tpu.memory_space<vmem_shared>> -> memref<16xf32, #tpu.memory_space<vmem_shared>>
        %dma_start3A_251 = arith.constant 0 : i32
        %dma_start3A_252 = tpu.memref_slice %arg11[%add3A_181, %dma_start3A_251] : memref<32x32xf32, #tpu.memory_space<vmem_shared>> -> memref<1x16xf32, #tpu.memory_space<vmem_shared>>
        %dma_start3A_253 = tpu.memref_squeeze %dma_start3A_252 : memref<1x16xf32, #tpu.memory_space<vmem_shared>> -> memref<16xf32, #tpu.memory_space<vmem_shared>>
        tpu.enqueue_dma source(%arg9 : memref<16xf32, #tpu.memory_space<vmem>>) target(%dma_start3A_253 : memref<16xf32, #tpu.memory_space<vmem_shared>>) target_semaphore(%run_scoped3A : memref<!tpu.dma_semaphore, #tpu.memory_space<semaphore_mem>>)
        %dma_wait3A = arith.constant 0 : i32
        %dma_wait3A_254 = tpu.memref_slice %arg11[%add3A_181, %dma_wait3A] : memref<32x32xf32, #tpu.memory_space<vmem_shared>> -> memref<1x16xf32, #tpu.memory_space<vmem_shared>>
        %dma_wait3A_255 = tpu.memref_squeeze %dma_wait3A_254 : memref<1x16xf32, #tpu.memory_space<vmem_shared>> -> memref<16xf32, #tpu.memory_space<vmem_shared>>
        %dma_wait3A_256 = arith.constant 0 : i32
        %dma_wait3A_257 = tpu.memref_slice %arg11[%add3A_181, %dma_wait3A_256] : memref<32x32xf32, #tpu.memory_space<vmem_shared>> -> memref<1x16xf32, #tpu.memory_space<vmem_shared>>
        %dma_wait3A_258 = tpu.memref_squeeze %dma_wait3A_257 : memref<1x16xf32, #tpu.memory_space<vmem_shared>> -> memref<16xf32, #tpu.memory_space<vmem_shared>>
        tpu.wait_dma2 semaphore(%run_scoped3A : memref<!tpu.dma_semaphore, #tpu.memory_space<semaphore_mem>>) src(%arg9 : memref<16xf32, #tpu.memory_space<vmem>>) dst(%dma_wait3A_258 : memref<16xf32, #tpu.memory_space<vmem_shared>>)
        tpu.yield
      }) : () -> ()
      %xor3A = arith.constant 1 : i32
      %xor3A_182 = arith.xori %arg1, %xor3A : i32
      %add3A_183 = arith.constant 16 : i32
      %add3A_184 = arith.addi %add3A_183, %xor3A_182 : i32
      "tpu.region"() ({
        %run_scoped3A = tpu.sem_alloc : memref<!tpu.dma_semaphore, #tpu.memory_space<semaphore_mem>>
        %dma_start3A = arith.constant 0 : i32
        %dma_start3A_249 = tpu.memref_slice %arg11[%add3A_184, %dma_start3A] : memref<32x32xf32, #tpu.memory_space<vmem_shared>> -> memref<1x16xf32, #tpu.memory_space<vmem_shared>>
        %dma_start3A_250 = tpu.memref_squeeze %dma_start3A_249 : memref<1x16xf32, #tpu.memory_space<vmem_shared>> -> memref<16xf32, #tpu.memory_space<vmem_shared>>
        %dma_start3A_251 = arith.constant 0 : i32
        %dma_start3A_252 = tpu.memref_slice %arg11[%add3A_184, %dma_start3A_251] : memref<32x32xf32, #tpu.memory_space<vmem_shared>> -> memref<1x16xf32, #tpu.memory_space<vmem_shared>>
        %dma_start3A_253 = tpu.memref_squeeze %dma_start3A_252 : memref<1x16xf32, #tpu.memory_space<vmem_shared>> -> memref<16xf32, #tpu.memory_space<vmem_shared>>
        tpu.enqueue_dma source(%dma_start3A_253 : memref<16xf32, #tpu.memory_space<vmem_shared>>) target(%arg10 : memref<16xf32, #tpu.memory_space<vmem>>) target_semaphore(%run_scoped3A : memref<!tpu.dma_semaphore, #tpu.memory_space<semaphore_mem>>)
        %dma_wait3A = arith.constant 0 : i32
        %dma_wait3A_254 = tpu.memref_slice %arg11[%add3A_184, %dma_wait3A] : memref<32x32xf32, #tpu.memory_space<vmem_shared>> -> memref<1x16xf32, #tpu.memory_space<vmem_shared>>
        %dma_wait3A_255 = tpu.memref_squeeze %dma_wait3A_254 : memref<1x16xf32, #tpu.memory_space<vmem_shared>> -> memref<16xf32, #tpu.memory_space<vmem_shared>>
        %dma_wait3A_256 = arith.constant 0 : i32
        %dma_wait3A_257 = tpu.memref_slice %arg11[%add3A_184, %dma_wait3A_256] : memref<32x32xf32, #tpu.memory_space<vmem_shared>> -> memref<1x16xf32, #tpu.memory_space<vmem_shared>>
        %dma_wait3A_258 = tpu.memref_squeeze %dma_wait3A_257 : memref<1x16xf32, #tpu.memory_space<vmem_shared>> -> memref<16xf32, #tpu.memory_space<vmem_shared>>
        tpu.wait_dma2 semaphore(%run_scoped3A : memref<!tpu.dma_semaphore, #tpu.memory_space<semaphore_mem>>) src(%dma_wait3A_258 : memref<16xf32, #tpu.memory_space<vmem_shared>>) dst(%arg10 : memref<16xf32, #tpu.memory_space<vmem>>)
        tpu.yield
      }) : () -> ()
      %get3A_185 = arith.constant 0 : index
      %get3A_186 = tpu.vector_load %arg10[%get3A_185] {strides = array<i32>} : memref<16xf32, #tpu.memory_space<vmem>>, vector<16xf32>,
      %while3A = scf.while (%while3A_249 = %get3A_186) : (vector<16xf32>) -> vector<16xf32> {
        %slice3A_250 = vector.extract_strided_slice %while3A_249 {offsets = [2], sizes = [1], strides = [1]} : vector<16xf32> to vector<1xf32>
        %squeeze3A_251 = vector.extract %slice3A_250[0] : f32 from vector<1xf32>
        %ne3A_252 = arith.cmpf one, %squeeze3A_251, %convert_element_type3A_165 : f32
        scf.condition(%ne3A_252) %while3A_249 : vector<16xf32>
      } do {
      ^bb0(%while3A_249: vector<16xf32>):
        %xor3A_250 = arith.constant 1 : i32
        %xor3A_251 = arith.xori %arg1, %xor3A_250 : i32
        %add3A_252 = arith.constant 16 : i32
        %add3A_253 = arith.addi %add3A_252, %xor3A_251 : i32
        "tpu.region"() ({
          %run_scoped3A = tpu.sem_alloc : memref<!tpu.dma_semaphore, #tpu.memory_space<semaphore_mem>>
          %dma_start3A = arith.constant 0 : i32
          %dma_start3A_256 = tpu.memref_slice %arg11[%add3A_253, %dma_start3A] : memref<32x32xf32, #tpu.memory_space<vmem_shared>> -> memref<1x16xf32, #tpu.memory_space<vmem_shared>>
          %dma_start3A_257 = tpu.memref_squeeze %dma_start3A_256 : memref<1x16xf32, #tpu.memory_space<vmem_shared>> -> memref<16xf32, #tpu.memory_space<vmem_shared>>
          %dma_start3A_258 = arith.constant 0 : i32
          %dma_start3A_259 = tpu.memref_slice %arg11[%add3A_253, %dma_start3A_258] : memref<32x32xf32, #tpu.memory_space<vmem_shared>> -> memref<1x16xf32, #tpu.memory_space<vmem_shared>>
          %dma_start3A_260 = tpu.memref_squeeze %dma_start3A_259 : memref<1x16xf32, #tpu.memory_space<vmem_shared>> -> memref<16xf32, #tpu.memory_space<vmem_shared>>
          tpu.enqueue_dma source(%dma_start3A_260 : memref<16xf32, #tpu.memory_space<vmem_shared>>) target(%arg10 : memref<16xf32, #tpu.memory_space<vmem>>) target_semaphore(%run_scoped3A : memref<!tpu.dma_semaphore, #tpu.memory_space<semaphore_mem>>)
          %dma_wait3A = arith.constant 0 : i32
          %dma_wait3A_261 = tpu.memref_slice %arg11[%add3A_253, %dma_wait3A] : memref<32x32xf32, #tpu.memory_space<vmem_shared>> -> memref<1x16xf32, #tpu.memory_space<vmem_shared>>
          %dma_wait3A_262 = tpu.memref_squeeze %dma_wait3A_261 : memref<1x16xf32, #tpu.memory_space<vmem_shared>> -> memref<16xf32, #tpu.memory_space<vmem_shared>>
          %dma_wait3A_263 = arith.constant 0 : i32
          %dma_wait3A_264 = tpu.memref_slice %arg11[%add3A_253, %dma_wait3A_263] : memref<32x32xf32, #tpu.memory_space<vmem_shared>> -> memref<1x16xf32, #tpu.memory_space<vmem_shared>>
          %dma_wait3A_265 = tpu.memref_squeeze %dma_wait3A_264 : memref<1x16xf32, #tpu.memory_space<vmem_shared>> -> memref<16xf32, #tpu.memory_space<vmem_shared>>
          tpu.wait_dma2 semaphore(%run_scoped3A : memref<!tpu.dma_semaphore, #tpu.memory_space<semaphore_mem>>) src(%dma_wait3A_265 : memref<16xf32, #tpu.memory_space<vmem_shared>>) dst(%arg10 : memref<16xf32, #tpu.memory_space<vmem>>)
          tpu.yield
        }) : () -> ()
        %get3A_254 = arith.constant 0 : index
        %get3A_255 = tpu.vector_load %arg10[%get3A_254] {strides = array<i32>} : memref<16xf32, #tpu.memory_space<vmem>>, vector<16xf32>,
        scf.yield %get3A_255 : vector<16xf32>
      }
      %slice3A_187 = vector.extract_strided_slice %while3A {offsets = [0], sizes = [1], strides = [1]} : vector<16xf32> to vector<1xf32>
      %squeeze3A_188 = vector.extract %slice3A_187[0] : f32 from vector<1xf32>
      %slice3A_189 = vector.extract_strided_slice %while3A {offsets = [1], sizes = [1], strides = [1]} : vector<16xf32> to vector<1xf32>
      %squeeze3A_190 = vector.extract %slice3A_189[0] : f32 from vector<1xf32>
      %convert_element_type3A_191 = arith.fptosi %squeeze3A_190 : f32 to i32
      %gt3A_192 = arith.cmpf ogt, %squeeze3A_188, %reduce_max3A_150 : f32
      %eq3A_193 = arith.cmpf oeq, %squeeze3A_188, %reduce_max3A_150 : f32
      %lt3A_194 = arith.cmpi slt, %convert_element_type3A_191, %reduce_min3A_162 : i32
      %and3A_195 = arith.andi %eq3A_193, %lt3A_194 : i1
      %or3A_196 = arith.ori %gt3A_192, %and3A_195 : i1
      %select_n3A_197 = arith.select %or3A_196, %squeeze3A_188, %reduce_max3A_150 : f32
      %select_n3A_198 = arith.select %or3A_196, %convert_element_type3A_191, %reduce_min3A_162 : i32
      %jit3A_199 = arith.constant 16 : i32
      %div3A_200 = arith.divsi %select_n3A_198, %jit3A_199 : i32
      %sign3A_201 = arith.constant 0 : i32
      %sign3A_202 = arith.cmpi sgt, %select_n3A_198, %sign3A_201 : i32
      %sign3A_203 = arith.extui %sign3A_202 : i1 to i32
      %sign3A_204 = arith.constant 0 : i32
      %sign3A_205 = arith.cmpi slt, %select_n3A_198, %sign3A_204 : i32
      %sign3A_206 = arith.extui %sign3A_205 : i1 to i32
      %sign3A_207 = arith.subi %sign3A_203, %sign3A_206 : i32
      %sign3A_208 = arith.constant 0 : i32
      %sign3A_209 = arith.cmpi sgt, %jit3A_199, %sign3A_208 : i32
      %sign3A_210 = arith.extui %sign3A_209 : i1 to i32
      %sign3A_211 = arith.constant 0 : i32
      %sign3A_212 = arith.cmpi slt, %jit3A_199, %sign3A_211 : i32
      %sign3A_213 = arith.extui %sign3A_212 : i1 to i32
      %sign3A_214 = arith.subi %sign3A_210, %sign3A_213 : i32
      %ne3A_215 = arith.cmpi ne, %sign3A_207, %sign3A_214 : i32
      %rem3A_216 = arith.remsi %select_n3A_198, %jit3A_199 : i32
      %ne3A_217 = arith.constant 0 : i32
      %ne3A_218 = arith.cmpi ne, %rem3A_216, %ne3A_217 : i32
      %and3A_219 = arith.andi %ne3A_215, %ne3A_218 : i1
      %sub3A_220 = arith.constant 1 : i32
      %sub3A_221 = arith.subi %div3A_200, %sub3A_220 : i32
      %select_n3A_222 = arith.select %and3A_219, %sub3A_221, %div3A_200 : i32
      %mul3A_223 = arith.constant 16 : i32
      %mul3A_224 = arith.muli %select_n3A_222, %mul3A_223 : i32
      %sub3A_225 = arith.subi %select_n3A_198, %mul3A_224 : i32
      %get3A_226 = arith.index_cast %mul3A_224 : i32 to index
      %get3A_227 = tpu.vector_load %arg4[%get3A_226] {strides = array<i32>} : memref<32768xf32, #tpu.memory_space<vmem>>, vector<16xf32>,
      %broadcast_in_dim3A_228 = vector.broadcast %sub3A_225 : i32 to vector<16xi32>
      %broadcast_in_dim3A_229 = vector.shape_cast %broadcast_in_dim3A_228 : vector<16xi32> to vector<16x1xi32>
      %gather3A = vector.shape_cast %broadcast_in_dim3A_229 : vector<16x1xi32> to vector<16xi32>
      %gather3A_230 = tpu.dynamic_gather %get3A_227[%gather3A] in [0] : vector<16xf32>, vector<16xi32> -> vector<16xf32>
      %slice3A_231 = vector.extract_strided_slice %gather3A_230 {offsets = [0], sizes = [1], strides = [1]} : vector<16xf32> to vector<1xf32>
      %squeeze3A_232 = vector.extract %slice3A_231[0] : f32 from vector<1xf32>
      %get3A_233 = arith.index_cast %mul3A_224 : i32 to index
      %get3A_234 = tpu.vector_load %arg5[%get3A_233] {strides = array<i32>} : memref<32768xf32, #tpu.memory_space<vmem>>, vector<16xf32>,
      %broadcast_in_dim3A_235 = vector.broadcast %sub3A_225 : i32 to vector<16xi32>
      %broadcast_in_dim3A_236 = vector.shape_cast %broadcast_in_dim3A_235 : vector<16xi32> to vector<16x1xi32>
      %gather3A_237 = vector.shape_cast %broadcast_in_dim3A_236 : vector<16x1xi32> to vector<16xi32>
      %gather3A_238 = tpu.dynamic_gather %get3A_234[%gather3A_237] in [0] : vector<16xf32>, vector<16xi32> -> vector<16xf32>
      %slice3A_239 = vector.extract_strided_slice %gather3A_238 {offsets = [0], sizes = [1], strides = [1]} : vector<16xf32> to vector<1xf32>
      %squeeze3A_240 = vector.extract %slice3A_239[0] : f32 from vector<1xf32>
      %get3A_241 = arith.index_cast %mul3A_224 : i32 to index
      %get3A_242 = tpu.vector_load %arg6[%get3A_241] {strides = array<i32>} : memref<32768xf32, #tpu.memory_space<vmem>>, vector<16xf32>,
      %broadcast_in_dim3A_243 = vector.broadcast %sub3A_225 : i32 to vector<16xi32>
      %broadcast_in_dim3A_244 = vector.shape_cast %broadcast_in_dim3A_243 : vector<16xi32> to vector<16x1xi32>
      %gather3A_245 = vector.shape_cast %broadcast_in_dim3A_244 : vector<16x1xi32> to vector<16xi32>
      %gather3A_246 = tpu.dynamic_gather %get3A_242[%gather3A_245] in [0] : vector<16xf32>, vector<16xi32> -> vector<16xf32>
      %slice3A_247 = vector.extract_strided_slice %gather3A_246 {offsets = [0], sizes = [1], strides = [1]} : vector<16xf32> to vector<1xf32>
      %squeeze3A_248 = vector.extract %slice3A_247[0] : f32 from vector<1xf32>
      scf.yield %squeeze3A_232, %squeeze3A_240, %squeeze3A_248, %select_n3A_198, %select_n3A_104 : f32, f32, f32, i32, vector<16xi32>
    }
    %scan3A_75 = arith.constant 512 : i32
    %eq3A_76 = arith.constant 0 : i32
    %eq3A_77 = arith.cmpi eq, %select_n3A_30, %eq3A_76 : i32
    %convert_element_type3A = arith.extui %eq3A_77 : i1 to i32
    %cond3A = arith.constant 0 : i32
    %cond3A_78 = arith.cmpi ne, %convert_element_type3A, %cond3A : i32
    scf.if %cond3A_78 {
      %mul3A_79 = arith.constant 512 : i32
      %mul3A_80 = arith.muli %add3A, %mul3A_79 : i32
      "tpu.region"() ({
        %run_scoped3A = tpu.sem_alloc : memref<!tpu.dma_semaphore, #tpu.memory_space<semaphore_mem>>
        %dma_start3A = tpu.memref_slice %arg3[%mul3A_80] : memref<8192xi32, #tpu.memory_space<hbm>> -> memref<512xi32, #tpu.memory_space<hbm>>
        %dma_start3A_81 = tpu.memref_slice %arg3[%mul3A_80] : memref<8192xi32, #tpu.memory_space<hbm>> -> memref<512xi32, #tpu.memory_space<hbm>>
        tpu.enqueue_dma source(%arg8 : memref<512xi32, #tpu.memory_space<vmem>>) target(%dma_start3A_81 : memref<512xi32, #tpu.memory_space<hbm>>) target_semaphore(%run_scoped3A : memref<!tpu.dma_semaphore, #tpu.memory_space<semaphore_mem>>)
        %dma_wait3A = tpu.memref_slice %arg3[%mul3A_80] : memref<8192xi32, #tpu.memory_space<hbm>> -> memref<512xi32, #tpu.memory_space<hbm>>
        %dma_wait3A_82 = tpu.memref_slice %arg3[%mul3A_80] : memref<8192xi32, #tpu.memory_space<hbm>> -> memref<512xi32, #tpu.memory_space<hbm>>
        tpu.wait_dma2 semaphore(%run_scoped3A : memref<!tpu.dma_semaphore, #tpu.memory_space<semaphore_mem>>) src(%arg8 : memref<512xi32, #tpu.memory_space<vmem>>) dst(%dma_wait3A_82 : memref<512xi32, #tpu.memory_space<hbm>>)
        tpu.yield
      }) : () -> ()
    } else {
    }
    return
  }
}

</mosaic_0001>

<sc_bundles>
// kernel: _fps.3.cloned.1.call-start
scs
__scs_entry_jumppad:
0x0: {  	(pc) =	sbr.rel $0x88, $3  }
0x1: {  	(tag) =	ssettag $0x0;
	lr =	simm.s32 $0x1  }
0x2: {  	[smem:$0x3FA0] =	sst lr;
	_ =	strace $0xD0000000  }
0x3: {  	_ = 	snop  }
0x4: {  	_ = 	snop  }
0x5: {  	_ = 	snop  }
0x6: {  	_ = 	snop  }
0x7: {  	_ = 	snop  }
__scs_overlays_trampoline_lowered:
0x8: {  	[smem:$0x3FAF] =	sst s0  }
0x9: {  	[smem:$0x3FB0] =	sst s1  }
0xa: {  	[smem:$0x3FB1] =	sst s2  }
0xb: {  	[smem:$0x3FB2] =	sst s3  }
0xc: {  	[smem:$0x3FB3] =	sst s4  }
0xd: {  	[smem:$0x3FB4] =	sst s5  }
0xe: {  	[smem:$0x3FB5] =	sst s6  }
0xf: {  	[smem:$0x3FB6] =	sst s7  }
0x10: {  	[smem:$0x3FB7] =	sst s8  }
0x11: {  	[smem:$0x3FB8] =	sst s9;
	s0 =	simm.s32 @!p0 $0x0  }
0x12: {  	s1 =	sld [smem:$0x3F9E];
	s0 =	simm.s32 @p0 $0x1  }
0x13: {  	[smem:$0x3FB9] =	sst s0;
	s0 =	simm.s32 @!p1 $0x0  }
0x14: {  	s2 =	sld [smem:$0x3F9D];
	s0 =	simm.s32 @p1 $0x1  }
0x15: {  	[smem:$0x3FBA] =	sst s0;
	s0 =	simm.s32 @!p2 $0x0  }
0x16: {  	s3 =	sld [smem:$0x3FDB];
	s0 =	simm.s32 @p2 $0x1  }
0x17: {  	s4 =	simm.s32 $0x1BF5;
	[smem:$0x3FBC] =	sst s0  }
0x18: {  	s0 =	sld [smem:$0x3F9F];
	_ =	swait.ge [sflag:s4], $0x0  }
0x19: {  	s7 =	sld [smem:$0x3FA0]  }
0x1a: {  	s8 =	sadd.s32 $0xFFFFE003, lr  }
0x1b: {  	s9 =	sadd.s32 $0xFFFFFEF7, lr;
	s5 =	simm.s32 $0xFFFFFFFF;
	p2 =	slt.u32 s8, $0xFFFFF086  }
0x1c: {  	p1 =	slt.u32 s9, $0xF7A;
	s5 =	simm.s32 @!p2 $0x0  }
0x1d: {  	s5 =	simm.s32 @p1 $0x1;
	p0 =	seq.s32 s7, s2  }
0x1e: {  	s7 =	smul.u32 @!p0 $0xF7A, s2;
	p2 =	seq.s32 @!p0 s5, $0x0  }
0x1f: {  	s9 =	smul.u32 $0xF7A, s1;
	s8 =	simm.s32 @!p0 $0x1BF5;
	p2 =	por !p2, p0  }
0x20: {  	[sflag:s8] =	ssyncset.s32 @!p0 $0xFFFFF086;
	s6 =	sadd.s32 @!p0 s3, s7;
	s7 =	simm.s32 @!p0 $0x108  }
0x21: {  	s3 =	sadd.s32 s3, s9;
	s6 =	sadd.s32 @!p0 $0x88, s6;
	s7 =	simm.s32 @p2 $0x1082  }
0x22: {  	[simem:s7], [sflag:s8] =	dma.local @!p0 [hbm:s6], $0xF7A  }
0x23: {  	s9 =	sor.u32 $0xD0000000, s2;
	s6 =	simm.s32 $0x108;
	_ =	swait.ge @!p0 [sflag:s8], $0x0  }
0x24: {  	s3 =	sadd.s32 $0x88, s3;
	s6 =	simm.s32 @!p1 $0x1082;
	[sflag:s4] =	ssyncset.s32 $0xFFFFF086  }
0x25: {  	[simem:s6], [sflag:s4] =	dma.local [hbm:s3], $0xF7A  }
0x26: {  	[smem:$0x3FA0] =	sst s1;
	(tag) =	ssettag s2;
	_ =	strace s9  }
0x27: {  	s1 =	sld [smem:$0x3FB0]  }
0x28: {  	s2 =	sld [smem:$0x3FB1]  }
0x29: {  	s4 =	sld [smem:$0x3FB3]  }
0x2a: {  	p0 =	seq.s32 s5, $0x0;
	s5 =	sld [smem:$0x3FB4]  }
0x2b: {  	s6 =	sld [smem:$0x3FB5]  }
0x2c: {  	s7 =	sld [smem:$0x3FB6]  }
0x2d: {  	s3 =	simm.s32 $0x108;
	s8 =	sld [smem:$0x3FB7]  }
0x2e: {  	s3 =	simm.s32 @!p0 $0x1082;
	s9 =	sld [smem:$0x3FB8]  }
0x2f: {  	lr =	sadd.s32 s0, s3;
	s0 =	sld [smem:$0x3FAF]  }
0x30: {  	s3 =	sld [smem:$0x3FB2]  }
0x31: {  	[smem:$0x3FBB] =	sst s10  }
0x32: {  	s10 =	sld [smem:$0x3FB9];
	_ =	sdelay $0x3  }
0x33: {  	p0 =	seq.s32 s10, $0x1;
	s10 =	sld [smem:$0x3FBB];
	_ =	sdelay $0x3  }
0x34: {  	[smem:$0x3FBB] =	sst s10  }
0x35: {  	s10 =	sld [smem:$0x3FBA];
	_ =	sdelay $0x3  }
0x36: {  	p1 =	seq.s32 s10, $0x1;
	s10 =	sld [smem:$0x3FBB];
	_ =	sdelay $0x3  }
0x37: {  	[smem:$0x3FBB] =	sst s10  }
0x38: {  	s10 =	sld [smem:$0x3FBC]  }
0x39: {  	_ = 	snop;
	(pc) =	sbr.ind lr, $3  }
0x3a: {  	_ = 	snop  }
0x3b: {  	_ = 	snop  }
0x3c: {  	p2 =	seq.s32 s10, $0x1;
	s10 =	sld [smem:$0x3FBB]  }
0x3d: {  	_ =	shalt  }
0x3e: {  	_ =	shalt  }
0x3f: {  	_ =	shalt  }
0x40: {  	_ =	shalt  }
0x41: {  	_ =	shalt  }
0x42: {  	_ =	shalt  }
0x43: {  	_ =	shalt  }
0x44: {  	_ =	shalt  }
0x45: {  	_ =	shalt  }
0x46: {  	_ =	shalt  }
0x47: {  	_ =	shalt  }
0x48: {  	_ =	shalt  }
0x49: {  	_ =	shalt  }
0x4a: {  	_ =	shalt  }
0x4b: {  	_ =	shalt  }
0x4c: {  	_ =	shalt  }
0x4d: {  	_ =	shalt  }
0x4e: {  	_ =	shalt  }
0x4f: {  	_ =	shalt  }
0x50: {  	_ =	shalt  }
0x51: {  	_ =	shalt  }
0x52: {  	_ =	shalt  }
0x53: {  	_ =	shalt  }
0x54: {  	_ =	shalt  }
0x55: {  	_ =	shalt  }
0x56: {  	_ =	shalt  }
0x57: {  	_ =	shalt  }
0x58: {  	_ =	shalt  }
0x59: {  	_ =	shalt  }
0x5a: {  	_ =	shalt  }
0x5b: {  	_ =	shalt  }
0x5c: {  	_ =	shalt  }
0x5d: {  	_ =	shalt  }
0x5e: {  	_ =	shalt  }
0x5f: {  	_ =	shalt  }
0x60: {  	_ =	shalt  }
0x61: {  	_ =	shalt  }
0x62: {  	_ =	shalt  }
0x63: {  	_ =	shalt  }
0x64: {  	_ =	shalt  }
0x65: {  	_ =	shalt  }
0x66: {  	_ =	shalt  }
0x67: {  	_ =	shalt  }
0x68: {  	_ =	shalt  }
0x69: {  	_ =	shalt  }
0x6a: {  	_ =	shalt  }
0x6b: {  	_ =	shalt  }
0x6c: {  	_ =	shalt  }
0x6d: {  	_ =	shalt  }
0x6e: {  	_ =	shalt  }
0x6f: {  	_ =	shalt  }
0x70: {  	_ =	shalt  }
0x71: {  	_ =	shalt  }
0x72: {  	_ =	shalt  }
0x73: {  	_ =	shalt  }
0x74: {  	_ =	shalt  }
0x75: {  	_ =	shalt  }
0x76: {  	_ =	shalt  }
0x77: {  	_ =	shalt  }
0x78: {  	_ =	shalt  }
0x79: {  	_ =	shalt  }
0x7a: {  	_ =	shalt  }
0x7b: {  	_ =	shalt  }
0x7c: {  	_ =	shalt  }
0x7d: {  	_ =	shalt  }
0x7e: {  	_ =	shalt  }
0x7f: {  	_ =	shalt  }
0x80: {  	_ =	shalt  }
0x81: {  	_ =	shalt  }
0x82: {  	_ =	shalt  }
0x83: {  	_ =	shalt  }
0x84: {  	_ =	shalt  }
0x85: {  	_ =	shalt  }
0x86: {  	_ =	shalt  }
0x87: {  	_ =	shalt  }
.Lfunc_end0:
.L_simem_size_0:
called_computation_lowered:
.L_overlay_start_0:
0x88: {  	s2 =	sld [smem:$0x3FD9]  }
0x89: {  	s3 =	sld [smem:$0x3FFE];
	_ =	sdelay $0x1  }
0x8a: {  	s1 =	srdreg.scid  }
0x8b: {  	s0 =	sand.u32 $0x1, s1  }
0x8c: {  	s16 =	sshll.u32 s0, $0xA;
	s2 =	sadd.s32 s3, s2  }
0x8d: {  	s2 =	sadd.s32 s2, s16  }
0x8e: {  	[smem:$0x3FC7] =	sst s2  }
0x8f: {  	_ = 	snop  }
0x90: {  	(tm) =	ssettm $0x1  }
0x91: {  	s17 =	sld [smem:$0x3FFB];
	_ =	sdelay $0x3  }
0x92: {  	_ =	strace s17  }
0x93: {  	s2 =	sld [smem:$0x3FFC];
	_ =	sdelay $0x3  }
0x94: {  	_ =	strace s2  }
0x95: {  	s2 =	sld [smem:$0x3FFD];
	_ =	sdelay $0x3  }
0x96: {  	_ =	strace s2  }
0x97: {  	_ =	strace $0x8FFFFFFF  }
0x98: {  	s18 =	sld [smem:$0x3FDB];
	_ =	sdelay $0x1  }
0x99: {  	s19 =	simm.s32 $_scs_section_size  }
0x9a: {  	s4 =	simm.s32 $_size__tile_overlayer_lowered;
	s5 =	simm.s32 $_tile_overlayer_lowered  }
0x9b: {  	s22 =	simm.s32 $0x1BFF;
	s21 =	sshll.u32 s5, $0x1;
	s2 =	sadd.s32 s19, s18  }
0x9c: {  	s6 =	simm.s32 $0x0;
	s20 =	sshll.u32 s4, $0x1;
	s4 =	sadd.s32 s21, s2  }
0x9d: {  	[timem:s6], [sflag:s22] =	dma.local [hbm:s4], s20  }
0x9e: {  	_ =	swait.ge [sflag:s22], s20  }
0x9f: {  	s3 =	ssub.s32 $0x0, s20;
	[sflag:s22] =	ssyncset.done $0x0  }
0xa0: {  	[sflag:s22] =	ssyncadd.s32 s3;
	_ =	sdelay $0x1  }
0xa1: {  	s23 =	simm.s32 $0x1B8B  }
0xa2: {  	_ =	swait.ge [sflag:s23], $0x1  }
0xa3: {  	[sflag:s23] =	ssyncset.done $0x0  }
0xa4: {  	s25 =	simm.s32 $0x1B8E;
	s24 =	sld [smem:$0x3FFE];
	[sflag:s23] =	ssyncadd.s32 $0xFFFFFFFF  }
0xa5: {  	s26 =	simm.s32 $execute0_lowered;
	[smem:$0x3FD2] =	sst s25  }
0xa6: {  	s4 =	sshll.u32 s26, $0x1;
	_ =	strace $0x80000046;
	[dreg:$0x1] =	wrdreg $0xFFFFFFFF  }
0xa7: {  	s28 =	simm.s32 $_size_execute0_lowered;
	s2 =	sadd.s32 s2, s4;
	[dreg:$0x0] =	wrdreg $0x0  }
0xa8: {  	s4 =	sshll.u32 s28, $0x1;
	[dreg:$0x2] =	wrdreg s2  }
0xa9: {  	[dreg:$0x3] =	wrdreg s4  }
0xaa: {  	[dreg:$0x4] =	wrdreg $0xC0  }
0xab: {  	_ =	task [dreg:s6], $0x5FFFF  }
0xac: {  	[dreg:$0x1] =	wrdreg $0xFFFFFFFF  }
0xad: {  	[dreg:$0x0] =	wrdreg $0x60  }
0xae: {  	[dreg:$0x2] =	wrdreg s24  }
0xaf: {  	[dreg:$0x3] =	wrdreg $0x1C3000  }
0xb0: {  	[dreg:$0x4] =	wrdreg $0x9  }
0xb1: {  	_ =	task.clear_ibuf [dreg:s6], $0x5FFFF;
	_ =	strace $0x90000046  }
0xb2: {  	s29 =	simm.s32 $0x9;
	_ =	strace $0x80000048  }
0xb3: {  	_ =	swait.ge [sflag:s29], $0x1  }
0xb4: {  	[sflag:s29] =	ssyncadd.s32 $0xFFFFFFFF  }
0xb5: {  	_ =	strace $0x90000048  }
0xb6: {  	_ =	sfence  }
0xb7: {  	s30 =	sld [smem:$0x0];
	_ =	sdelay $0x2  }
0xb8: {  	s31 =	sshll.u32 s1, $0xD;
	s1 =	sshrl.u32 s1, $0x2  }
0xb9: {  	s3 =	sand.u32 $0x4000, s31;
	s1 =	sadd.s32 s1, s30  }
0xba: {  	s0 =	sor.u32 s3, s0;
	s1 =	sshll.u32 s1, $0x11  }
0xbb: {  	s0 =	sor.u32 s1, s0  }
0xbc: {  	s0 =	sadd.s32 $0x8F2B, s0  }
0xbd: {  	[sflag:s0] =	ssyncadd.remote.s32 $0x1  }
0xbe: {  	_ =	sfence.sel $0xFFFF  }
0xbf: {  	[dreg:$0x0] =	wrdreg $0xFFFFFFFF;
	(pc) =	sbr.abs _section_cstart, $3  }
0xc0: {  	[dreg:$0x1] =	wrdreg $0xFFFFFFFF  }
0xc1: {  	_ =	task.clear_ibuf [dreg:s6], $0x2FFFF;
	_ =	strace $0x9FFFFFFF  }
0xc2: {  	(tm) =	ssettm $0x7FFFFFFF  }
0xc3: {  	_ =	shalt  }
tec
execute0_lowered:
.L_overlay_start_1:
0x0: {  	(tag) =	ssettag $0x1  }
0x1: {  	s1 =	srdreg.scid;
	s3 =	rddreg [dreg:$0x0]  }
0x2: {  	s0 =	stileid.u32;
	s6 =	rddreg [dreg:$0x1];
	s2 =	simm.s32 $0x0  }
0x3: {  	s12 =	simm.s32 $0x10000;
	s13 =	simm.s32 $0x1C200;
	s14 =	simm.s32 $0x1C280  }
0x4: {  	s4 =	sand.u32 $0x1, s1;
	s7 =	sshrl.u32 s0, $0x1;
	s1 =	rddreg [dreg:$0x2]  }
0x5: {  	[smem:$0x7FF] =	sst s2;
	s15 =	sand.u32 $0x1, s0;
	s10 =	sshll.u32 s0, $0x7  }
0x6: {  	s5 =	sshll.u32 s4, $0x3;
	_ =	strace $0x80000047;
	s4 =	ssub.s32 $0x2, s4  }
0x7: {  	s11 =	sxor.u32 $0x80, s10;
	s29 =	sadd.s32 s10, s6;
	s31 =	sshll.u32 s15, $0xE  }
0x8: {  	s10 =	simm.s32 $0x1;
	p0 =	sne.s32 s15, $0x0;
	s15 =	simm.s32 $0x0  }
0x9: {  	s5 =	sor.u32 s7, s5;
	s28 =	sshrl.u32 s4, $0x1;
	s30 =	sadd.s32 s11, s6  }
0xa: {  	s6 =	sadd.s32 $0x800, s29;
	s18 =	sor.u32 $0x10030, s31;
	s7 =	smul.u32 $0x18000, s5  }
.Ltmp0:
0xb: {  	s16 =	sor.u32 $0x20, s31;
	s17 =	sor.u32 $0x8020, s31;
	v6 =	vmov s18;
	(pc) =	sbr.rel .LBB2_1-.Ltmp0, $4  }
0xc: {  	s11 =	simm.s32 $0x8000;
	s5 =	sshll.u32 s5, $0x6;
	v5 =	vmov s17;
	s7 =	sshrl.u32 s7, $0x3  }
0xd: {  	s9 =	ssub.s32 s4, s28;
	s8 =	sadd.s32 s5, s3;
	s7 =	sadd.s32 s7, s3  }
0xe: {  	v0 =	vlaneseq.u32;
	v2 =	vimm.f32 $-2.000000000e+00;
	v3 =	vimm.f32 $1.000000000e+10;
	s9 =	smax.u32 s9, $0x1;
	s8 =	sadd.s32 $0x30400, s8;
	s3 =	sadd.s32 $0x400, s7  }
0xf: {  	vm0 =	vmmov $0x1;
	v1 =	vor.u32 s31, v0;
	v4 =	vmov s16;
	s4 =	sadd.s32 $0x1400, s7;
	s5 =	sadd.s32 $0x2400, s7;
	s7 =	sadd.s32 $0x800, s30  }
.LBB2_9:
0x10: {  	s16 =	simm.s32 @!p0 $0x0;
	s17 =	simm.s32 @!p0 $0x1C000;
	s15 =	sadd.s32 $0x1, s15  }
0x11: {  	[hbm4b:s8+s16] =	stream.linear.scatter @!p0 [tilespmem:s17], [sflag:$0x1], $0x200, $0x38;
	[tilespmem:$0x1C340] =	vst v63  }
0x12: {  	p1 =	sne.s32 s15, s9  }
.Ltmp1:
0x13: {  	_ = 	snop;
	(pc) =	sbr.rel @!p1 .LBB2_10-.Ltmp1, $4  }
0x14: {  	s16 =	simm.s32 @!p0 $0x1  }
0x15: {  	_ =	swait.ge @!p0 [sflag:s16], $0x200  }
0x16: {  	[sflag:s16] =	ssyncset.done @!p0 $0x0  }
0x17: {  	[sflag:s16] =	ssyncadd.s32 @!p0 $0xFFFFFE00  }
.LBB2_1:
0x18: {  	[tilespmem:s2], [sflag:$0x1] =	stream.linear.gather [hbm4b:s3+s2], $0x8000, $0x38;
	[tilespmem:$0x1C340] =	vst v63  }
0x19: {  	_ =	swait.ge [sflag:s10], $0x8000  }
0x1a: {  	[sflag:s10] =	ssyncset.done $0x0  }
0x1b: {  	[sflag:s10] =	ssyncadd.s32 $0xFFFF8000  }
0x1c: {  	[tilespmem:s11], [sflag:$0x1] =	stream.linear.gather [hbm4b:s4+s2], $0x8000, $0x38;
	[tilespmem:$0x1C340] =	vst v63  }
0x1d: {  	_ =	swait.ge [sflag:s10], $0x8000  }
0x1e: {  	[sflag:s10] =	ssyncset.done $0x0  }
0x1f: {  	[sflag:s10] =	ssyncadd.s32 $0xFFFF8000  }
0x20: {  	[tilespmem:s12], [sflag:$0x1] =	stream.linear.gather [hbm4b:s5+s2], $0x8000, $0x38;
	[tilespmem:$0x1C340] =	vst v63  }
0x21: {  	_ =	swait.ge [sflag:s10], $0x8000  }
0x22: {  	[sflag:s10] =	ssyncset.done $0x0  }
0x23: {  	[sflag:s10] =	ssyncadd.s32 $0xFFFF8000  }
0x24: {  	[tilespmem:$0x1C200] =	vst v2  }
0x25: {  	[spmem:s6] =	stream.linear.scatter [tilespmem:s13], [sflag:$0x1], $0x10, $0x38;
	[tilespmem:$0x1C340] =	vst v63  }
0x26: {  	_ =	swait.ge [sflag:s10], $0x10  }
0x27: {  	[sflag:s10] =	ssyncset.done $0x0  }
0x28: {  	s16 =	simm.s32 $0x40;
	s17 =	simm.s32 $0x0;
	[sflag:s10] =	ssyncadd.s32 $0xFFFFFFF0  }
.LBB2_2:
0x29: {  	p1 =	sne.s32 s16, $0xFFC0;
	[tilespmem:s17+$0x18000] =	vst v3;
	s17 =	smov.u32 s16;
	s16 =	sadd.s32 $0x40, s16  }
.Ltmp2:
0x2a: {  	(pc) =	sbr.rel @p1 .LBB2_2-.Ltmp2, $2  }
0x2b: {  	_ =	sdelay $0x2  }
0x2c: {  	s17 =	sshra.s32 s17, $0x2  }
0x2d: {  	[tilespmem:s17+$0x18000] =	vst v3  }
0x2e: {  	v7 =	vld [tilespmem:$0x0]  }
0x2f: {  	v8 =	vld [tilespmem:$0x8000]  }
0x30: {  	v9 =	vld [tilespmem:$0x10000];
	_ =	sdelay $0x2  }
0x31: {  	(v2sf) =	vpush v7, $0x0  }
0x32: {  	(v2sf) =	vpush v8, $0x0  }
0x33: {  	(v2sf) =	vpush v9, $0x0;
	_ =	sdelay $0xa  }
.Ltmp3:
0x34: {  	_ = 	snop;
	(pc) =	sbr.rel .LBB2_4-.Ltmp3, $4  }
0x35: {  	_ = 	snop  }
0x36: {  	s18 =	spop (v2sf)  }
0x37: {  	s20 =	spop (v2sf)  }
0x38: {  	s17 =	simm.s32 $0x0;
	s16 =	simm.s32 $0x0;
	v7 =	vimm.s32 $0x0;
	s19 =	spop (v2sf)  }
.LBB2_8:
0x39: {  	(v2sf) =	vpush v8, $0x0  }
0x3a: {  	(v2sf) =	vpush v8, $0x1;
	_ =	sdelay $0xd  }
0x3b: {  	s18 =	spop (v2sf)  }
0x3c: {  	s19 =	spop (v2sf)  }
0x3d: {  	s19 =	scvt.f32.s32 s19;
	_ =	sdelay $0x1  }
0x3e: {  	s20 =	smov.u32 s17;
	p1 =	seq.f32 s18, s22;
	p2 =	sgt.s32 s17, s19  }
0x3f: {  	p3 =	sgt.f32 s18, s22;
	s20 =	smov.u32 @p2 s19  }
0x40: {  	s17 =	smov.u32 @p1 s20  }
0x41: {  	s17 =	smov.u32 @p3 s19  }
0x42: {  	s30 =	sand.u32 $0xF, s17  }
0x43: {  	s19 =	sshra.s32 s17, $0x1F;
	p5 =	slt.s32 s17, $0x1;
	p6 =	sne.s32 s30, $0x0  }
0x44: {  	s31 =	sshrl.u32 s19, $0x1C;
	p1 =	por !p5, !p6  }
0x45: {  	s19 =	simm.s32 $0x1;
	s18 =	sadd.s32 s31, s17;
	p1 =	por !p1, !p1  }
0x46: {  	s18 =	sshrl.u32 s18, $0x4;
	s19 =	simm.s32 @!p1 $0x0  }
0x47: {  	s18 =	ssub.s32 s18, s19  }
0x48: {  	s18 =	sshll.u32 s18, $0x4  }
0x49: {  	v8 =	vld [tilespmem:s18+$0x0]  }
0x4a: {  	v9 =	vld [tilespmem:s18+$0x8000]  }
0x4b: {  	v10 =	vld [tilespmem:s18+$0x10000]  }
0x4c: {  	s18 =	ssub.s32 s17, s18  }
0x4d: {  	v11 =	vmov s18  }
0x4e: {  	v8 =	vperm.xlane v8, v11  }
0x4f: {  	v9 =	vperm.xlane v9, v11  }
0x50: {  	(v2sf) =	vpush v8, $0x0;
	v8 =	vperm.xlane v10, v11  }
0x51: {  	(v2sf) =	vpush v9, $0x0  }
0x52: {  	(v2sf) =	vpush v8, $0x0;
	_ =	sdelay $0x9  }
0x53: {  	p1 =	sne.s32 s16, $0x200  }
.Ltmp4:
0x54: {  	_ = 	snop;
	(pc) =	sbr.rel @!p1 .LBB2_9-.Ltmp4, $4  }
0x55: {  	_ = 	snop  }
0x56: {  	s18 =	spop (v2sf)  }
0x57: {  	s20 =	spop (v2sf)  }
0x58: {  	s19 =	spop (v2sf)  }
.LBB2_4:
0x59: {  	s21 =	sand.u32 $0xF, s16  }
0x5a: {  	v8 =	vmov s21  }
0x5b: {  	p1 =	sne.s32 s21, $0xF;
	vm1 =	veq.s32 v8, v0  }
0x5c: {  	v7 =	vsel vm1, s17, v7;
	s17 =	sand.u32 @!p1 $0x1F0, s16  }
0x5d: {  	[tilespmem:s17+$0x1C000] =	vst @!p1 v7;
	s17 =	simm.s32 $0x0  }
0x5e: {  	v8 =	vld.idx.msk [tilespmem:v5+s17+$0xFFFFFFE0 ss:$0x1], $0xffff  }
0x5f: {  	v11 =	vld.idx.msk [tilespmem:v4+s17+$0xFFFFFFE0 ss:$0x1], $0xffff;
	_ =	sdelay $0x1  }
0x60: {  	v12 =	vld.idx.msk [tilespmem:v6+s17+$0xFFFFFFD0 ss:$0x1], $0xffff;
	_ =	sdelay $0x1  }
0x61: {  	v9 =	vmov s18;
	v10 =	vmov s20  }
0x62: {  	v13 =	vsub.f32 v8, v10;
	v11 =	vsub.f32 v11, v9  }
0x63: {  	v8 =	vmov s19  }
0x64: {  	v12 =	vsub.f32 v12, v8;
	v13 =	vmul.f32 v13, v13;
	v11 =	vmul.f32 v11, v11  }
0x65: {  	v14 =	vld [tilespmem:s17+$0x18000]  }
0x66: {  	v12 =	vmul.f32 v12, v12;
	v11 =	vadd.f32 v13, v11;
	_ =	sdelay $0x1  }
0x67: {  	s18 =	simm.s32 $0x40;
	v11 =	vadd.f32 v12, v11  }
0x68: {  	v16 =	vld.idx.msk [tilespmem:v6+s18+$0xFFFFFFD0 ss:$0x1], $0xffff  }
0x69: {  	v12 =	vld.idx.msk [tilespmem:v5+s18+$0xFFFFFFE0 ss:$0x1], $0xffff;
	v13 =	vmin.f32 v14, v11  }
0x6a: {  	v11 =	vld.idx.msk [tilespmem:v4+s18+$0xFFFFFFE0 ss:$0x1], $0xffff;
	[tilespmem:s17+$0x18000] =	vst v13  }
0x6b: {  	v14 =	vld.idx.msk [tilespmem:v4+s17+$0xFFFFFFF0 ss:$0x1], $0xffff  }
0x6c: {  	v15 =	vld.idx.msk [tilespmem:v5+s17+$0xFFFFFFF0 ss:$0x1], $0xffff  }
0x6d: {  	v17 =	vld.idx.msk [tilespmem:v6+s17+$0xFFFFFFE0 ss:$0x1], $0xffff  }
0x6e: {  	v12 =	vsub.f32 v12, v10  }
0x6f: {  	v11 =	vsub.f32 v11, v9  }
0x70: {  	v16 =	vsub.f32 v16, v8;
	v12 =	vmul.f32 v12, v12  }
0x71: {  	v15 =	vsub.f32 v15, v10;
	v14 =	vsub.f32 v14, v9;
	v11 =	vmul.f32 v11, v11  }
0x72: {  	v19 =	vld [tilespmem:s18+$0x18000];
	s19 =	simm.s32 $0x80;
	v16 =	vmul.f32 v16, v16;
	v17 =	vsub.f32 v17, v8  }
0x73: {  	v18 =	vld.idx.msk [tilespmem:v5+s19+$0xFFFFFFE0 ss:$0x1], $0xffff;
	v15 =	vmul.f32 v15, v15;
	v14 =	vmul.f32 v14, v14;
	v11 =	vadd.f32 v12, v11  }
0x74: {  	v12 =	vld [tilespmem:s17+$0x18010]  }
0x75: {  	v20 =	vld.idx.msk [tilespmem:v4+s19+$0xFFFFFFE0 ss:$0x1], $0xffff;
	v17 =	vmul.f32 v17, v17;
	v14 =	vadd.f32 v15, v14;
	v11 =	vadd.f32 v16, v11;
	_ =	sdelay $0x1  }
0x76: {  	v14 =	vadd.f32 v17, v14;
	v16 =	vmin.f32 v19, v11  }
0x77: {  	v15 =	vld.idx.msk [tilespmem:v6+s19+$0xFFFFFFD0 ss:$0x1], $0xffff;
	[tilespmem:s18+$0x18000] =	vst v16  }
0x78: {  	v12 =	vmin.f32 v12, v14;
	v17 =	vld.idx.msk [tilespmem:v4+s18+$0xFFFFFFF0 ss:$0x1], $0xffff  }
0x79: {  	v11 =	vsub.f32 v18, v10;
	v14 =	vsub.f32 v20, v9;
	v21 =	vld.idx.msk [tilespmem:v5+s18+$0xFFFFFFF0 ss:$0x1], $0xffff;
	[tilespmem:s17+$0x18010] =	vst v12  }
0x7a: {  	v18 =	vld.idx.msk [tilespmem:v4+s17+$0x0 ss:$0x1], $0xffff  }
0x7b: {  	v19 =	vmul.f32 v11, v11;
	v14 =	vmul.f32 v14, v14;
	v20 =	vld.idx.msk [tilespmem:v5+s17+$0x0 ss:$0x1], $0xffff  }
0x7c: {  	v22 =	vld.idx.msk [tilespmem:v6+s18+$0xFFFFFFE0 ss:$0x1], $0xffff  }
0x7d: {  	v11 =	vimm.f32 $-1.000000000e+00;
	v14 =	vadd.f32 v19, v14;
	v19 =	vld.idx.msk [tilespmem:v6+s17+$0xFFFFFFF0 ss:$0x1], $0xffff  }
0x7e: {  	s20 =	simm.s32 $0xC0;
	v23 =	vadd.s32 $0x10, v1;
	v15 =	vsub.f32 v15, v8;
	vm2 =	vgt.f32 v13, v11  }
0x7f: {  	v25 =	vld.idx.msk [tilespmem:v6+s20+$0xFFFFFFD0 ss:$0x1], $0xffff;
	vm1 =	vgt.f32 v12, v11;
	v13 =	vsel vm2, v13, v11;
	v21 =	vsub.f32 v21, v10  }
0x80: {  	v24 =	vld [tilespmem:s19+$0x18000];
	v12 =	vsel vm1, v12, v11;
	v18 =	vsub.f32 v18, v9;
	v20 =	vsub.f32 v20, v10  }
0x81: {  	v26 =	vld.idx.msk [tilespmem:v4+s20+$0xFFFFFFE0 ss:$0x1], $0xffff;
	v15 =	vmul.f32 v15, v15;
	v17 =	vsub.f32 v17, v9;
	v22 =	vsub.f32 v22, v8  }
0x82: {  	v27 =	vld [tilespmem:s17+$0x18020];
	v19 =	vsub.f32 v19, v8;
	v18 =	vmul.f32 v18, v18;
	v20 =	vmul.f32 v20, v20  }
0x83: {  	v14 =	vadd.f32 v15, v14;
	v15 =	vld.idx.msk [tilespmem:v5+s20+$0xFFFFFFE0 ss:$0x1], $0xffff;
	v21 =	vmul.f32 v21, v21;
	v17 =	vmul.f32 v17, v17  }
0x84: {  	v28 =	vld [tilespmem:s18+$0x18010];
	vm2 =	vmmov vm2;
	v18 =	vadd.f32 v20, v18;
	v19 =	vmul.f32 v19, v19  }
0x85: {  	v17 =	vadd.f32 v21, v17;
	v21 =	vmin.f32 v24, v14;
	v20 =	vmul.f32 v22, v22  }
0x86: {  	v30 =	vld [tilespmem:s20+$0x18000];
	vm2 =	vmmov vm2;
	v14 =	vsel vm1, v23, v1;
	[tilespmem:s19+$0x18000] =	vst v21;
	v18 =	vadd.f32 v19, v18  }
0x87: {  	vm1 =	vgt.f32 v16, v13;
	v23 =	vsub.f32 v25, v8;
	v22 =	vld.idx.msk [tilespmem:v4+s19+$0xFFFFFFF0 ss:$0x1], $0xffff;
	v17 =	vadd.f32 v20, v17  }
0x88: {  	v15 =	vsub.f32 v15, v10;
	v24 =	vld.idx.msk [tilespmem:v5+s19+$0xFFFFFFF0 ss:$0x1], $0xffff;
	v20 =	vsub.f32 v26, v9;
	v18 =	vmin.f32 v27, v18  }
0x89: {  	v16 =	vsel vm1, v16, v13;
	v13 =	vadd.s32 $0x40, v1;
	v19 =	vld.idx.msk [tilespmem:v6+s19+$0xFFFFFFE0 ss:$0x1], $0xffff;
	v17 =	vmin.f32 v28, v17;
	[tilespmem:s17+$0x18020] =	vst v18  }
0x8a: {  	vm1 =	vmmov vm1;
	v15 =	vmul.f32 v15, v15;
	v20 =	vmul.f32 v20, v20;
	[tilespmem:s18+$0x18010] =	vst v17;
	v25 =	vld.idx.msk [tilespmem:v4+s17+$0x10 ss:$0x1], $0xffff  }
0x8b: {  	v23 =	vmul.f32 v23, v23;
	vm1 =	vmmov vm1;
	v36 =	vadd.s32 $0x20, v13;
	v28 =	vld.idx.msk [tilespmem:v4+s18+$0x0 ss:$0x1], $0xffff  }
0x8c: {  	v26 =	vadd.s32 $0x20, v1;
	vm3 =	vgt.f32 v17, v12;
	v15 =	vadd.f32 v15, v20;
	v20 =	vld.idx.msk [tilespmem:v5+s18+$0x0 ss:$0x1], $0xffff  }
0x8d: {  	v27 =	vadd.s32 $0x10, v13;
	vm4 =	vgt.f32 v18, v11;
	v17 =	vsel vm3, v17, v12;
	v12 =	vld.idx.msk [tilespmem:v6+s18+$0xFFFFFFF0 ss:$0x1], $0xffff  }
0x8e: {  	s21 =	simm.s32 $0x100;
	v24 =	vsub.f32 v24, v10;
	v22 =	vsub.f32 v22, v9;
	v32 =	vsel vm4, v26, v1;
	v26 =	vld.idx.msk [tilespmem:v6+s17+$0x0 ss:$0x1], $0xffff  }
0x8f: {  	v29 =	vsel vm4, v18, v11;
	v18 =	vsub.f32 v19, v8;
	v19 =	vsel vm3, v27, v14;
	v27 =	vld.idx.msk [tilespmem:v5+s21+$0xFFFFFFE0 ss:$0x1], $0xffff  }
0x90: {  	v24 =	vmul.f32 v24, v24;
	v15 =	vadd.f32 v23, v15;
	v23 =	vld.idx.msk [tilespmem:v5+s17+$0x10 ss:$0x1], $0xffff;
	v28 =	vsub.f32 v28, v9  }
0x91: {  	v22 =	vmul.f32 v22, v22;
	v20 =	vsub.f32 v20, v10;
	v31 =	vsub.f32 v25, v9;
	v25 =	vld.idx.msk [tilespmem:v6+s21+$0xFFFFFFD0 ss:$0x1], $0xffff  }
0x92: {  	v33 =	vld.idx.msk [tilespmem:v4+s21+$0xFFFFFFE0 ss:$0x1], $0xffff;
	vm3 =	vgt.f32 v21, v16;
	v35 =	vmul.f32 v18, v18;
	v34 =	vsub.f32 v12, v8  }
0x93: {  	v28 =	vmul.f32 v28, v28;
	v18 =	vmul.f32 v20, v20;
	v20 =	vadd.f32 v24, v22;
	v22 =	vld [tilespmem:s18+$0x18020]  }
0x94: {  	v14 =	vsel vm2, v1, v1;
	v15 =	vmin.f32 v30, v15;
	v24 =	vsub.f32 v26, v8;
	v26 =	vld [tilespmem:s19+$0x18010]  }
0x95: {  	v27 =	vsub.f32 v27, v10;
	v18 =	vadd.f32 v18, v28;
	v28 =	vmul.f32 v34, v34  }
0x96: {  	v16 =	vsel vm3, v21, v16;
	[tilespmem:s20+$0x18000] =	vst v15;
	v23 =	vsub.f32 v23, v10;
	v21 =	vsub.f32 v25, v8  }
0x97: {  	v62 =	vld.idx.msk [tilespmem:v6+s20+$0xFFFFFFE0 ss:$0x1], $0xffff;
	v61 =	vmul.f32 v27, v27;
	v20 =	vadd.f32 v35, v20;
	v28 =	vadd.f32 v28, v18  }
0x98: {  	v30 =	vsub.f32 v33, v9;
	v27 =	vld.idx.msk [tilespmem:v5+s20+$0xFFFFFFF0 ss:$0x1], $0xffff;
	v23 =	vmul.f32 v23, v23;
	v63 =	vmul.f32 v21, v21  }
0x99: {  	v25 =	vld.idx.msk [tilespmem:v4+s20+$0xFFFFFFF0 ss:$0x1], $0xffff;
	v20 =	vmin.f32 v26, v20;
	v21 =	vmin.f32 v22, v28;
	v22 =	vmul.f32 v31, v31  }
0x9a: {  	vm3 =	vmmov vm3;
	v18 =	vld [tilespmem:s17+$0x18030];
	v28 =	vmul.f32 v30, v30;
	[tilespmem:s19+$0x18010] =	vst v20;
	vm2 =	vgt.f32 v20, v17  }
0x9b: {  	v12 =	vadd.s32 $0x40, v13;
	[tilespmem:s18+$0x18020] =	vst v21;
	v31 =	vld.idx.msk [tilespmem:v4+s19+$0x0 ss:$0x1], $0xffff;
	v22 =	vadd.f32 v23, v22;
	v23 =	vmul.f32 v24, v24  }
0x9c: {  	v37 =	vadd.s32 $0x10, v12;
	vm4 =	vgt.f32 v21, v29;
	v17 =	vsel vm2, v20, v17;
	v26 =	vld.idx.msk [tilespmem:v4+s18+$0x10 ss:$0x1], $0xffff  }
0x9d: {  	v30 =	vld.idx.msk [tilespmem:v5+s19+$0x0 ss:$0x1], $0xffff;
	v19 =	vsel vm2, v37, v19;
	vm2 =	vgt.f32 v15, v16;
	v28 =	vadd.f32 v61, v28  }
0x9e: {  	v20 =	vsel vm4, v21, v29;
	v21 =	vsel vm4, v36, v32;
	v29 =	vsub.f32 v62, v8;
	v32 =	vld.idx.msk [tilespmem:v6+s19+$0xFFFFFFF0 ss:$0x1], $0xffff  }
0x9f: {  	s22 =	simm.s32 $0x500;
	v24 =	vld.idx.msk [tilespmem:v5+s18+$0x10 ss:$0x1], $0xffff;
	v28 =	vadd.f32 v63, v28;
	v33 =	vadd.f32 v23, v22;
	v23 =	vmovc v1;
	v22 =	vmov v1  }
.LBB2_5:
0xa0: {  	s23 =	sshra.s32 s22, $0x2;
	p1 =	sne.s32 s22, $0xFF00;
	s22 =	sadd.s32 $0x100, s22;
	v14 =	vsel vm1, v13, v14;
	v34 =	vld.idx.msk [tilespmem:v6+s18+$0x0 ss:$0x1], $0xffff;
	v35 =	vadd.s32 $0x30, v23;
	v23 =	vmovc v13;
	v13 =	vmovc v12;
	vm1 =	vmmov vm3  }
0xa1: {  	v27 =	vsub.f32 v27, v10;
	v26 =	vsub.f32 v26, v9;
	v36 =	vld.idx.msk [tilespmem:v5+s23+$0xFFFFFFE0 ss:$0x1], $0xffff;
	v18 =	vmin.f32 v18, v33  }
0xa2: {  	v25 =	vsub.f32 v25, v9;
	v31 =	vsub.f32 v31, v9;
	v33 =	vld [tilespmem:s21+$0x18000];
	[tilespmem:s17+$0x18030] =	vst v18;
	vm3 =	vgt.f32 v18, v11;
	s17 =	smov.u32 s18;
	s18 =	smov.u32 s19;
	s19 =	smov.u32 s20  }
0xa3: {  	v27 =	vmul.f32 v27, v27;
	v30 =	vsub.f32 v30, v10;
	s20 =	smov.u32 s21;
	s21 =	smov.u32 s23;
	v37 =	vld.idx.msk [tilespmem:v6+s23+$0xFFFFFFD0 ss:$0x1], $0xffff;
	v11 =	vsel vm3, v18, v11  }
0xa4: {  	v18 =	vmul.f32 v25, v25;
	v25 =	vsub.f32 v32, v8;
	v31 =	vmul.f32 v31, v31;
	v38 =	vld.idx.msk [tilespmem:v4+s21+$0xFFFFFFE0 ss:$0x1], $0xffff  }
0xa5: {  	v29 =	vmul.f32 v29, v29;
	v22 =	vsel vm3, v35, v22;
	v30 =	vmul.f32 v30, v30  }
0xa6: {  	v12 =	vadd.s32 $0x40, v12;
	v27 =	vadd.f32 v27, v18;
	v34 =	vsub.f32 v34, v8;
	v32 =	vld [tilespmem:s18+$0x18020]  }
0xa7: {  	v24 =	vsub.f32 v24, v10;
	v25 =	vmul.f32 v25, v25;
	v18 =	vadd.f32 v30, v31;
	v35 =	vld [tilespmem:s19+$0x18010]  }
0xa8: {  	v16 =	vsel vm2, v15, v16;
	v30 =	vsub.f32 v36, v10;
	v15 =	vmin.f32 v33, v28  }
0xa9: {  	v24 =	vmul.f32 v24, v24;
	v28 =	vsub.f32 v37, v8;
	v31 =	vadd.f32 v25, v18;
	[tilespmem:s20+$0x18000] =	vst v15;
	v18 =	vld [tilespmem:s17+$0x18030]  }
0xaa: {  	v29 =	vadd.f32 v29, v27;
	v30 =	vmul.f32 v30, v30;
	v33 =	vsub.f32 v38, v9;
	v36 =	vld.idx.msk [tilespmem:v6+s20+$0xFFFFFFE0 ss:$0x1], $0xffff  }
0xab: {  	v37 =	vmul.f32 v26, v26;
	v28 =	vmul.f32 v28, v28;
	v25 =	vld.idx.msk [tilespmem:v4+s20+$0xFFFFFFF0 ss:$0x1], $0xffff;
	v32 =	vmin.f32 v32, v31  }
0xac: {  	v31 =	vmul.f32 v33, v33;
	v33 =	vadd.s32 $0x20, v13;
	v27 =	vld.idx.msk [tilespmem:v5+s20+$0xFFFFFFF0 ss:$0x1], $0xffff;
	v29 =	vmin.f32 v35, v29;
	[tilespmem:s18+$0x18020] =	vst v32  }
.Ltmp5:
0xad: {  	v35 =	vadd.s32 $0x10, v12;
	vm4 =	vgt.f32 v32, v20;
	[tilespmem:s19+$0x18010] =	vst v29;
	vm3 =	vgt.f32 v29, v17;
	v26 =	vld.idx.msk [tilespmem:v4+s18+$0x10 ss:$0x1], $0xffff;
	(pc) =	sbr.rel @p1 .LBB2_5-.Ltmp5, $4  }
0xae: {  	v37 =	vadd.f32 v24, v37;
	v38 =	vadd.f32 v30, v31;
	v17 =	vsel vm3, v29, v17;
	v31 =	vld.idx.msk [tilespmem:v4+s19+$0x0 ss:$0x1], $0xffff  }
0xaf: {  	v20 =	vsel vm4, v32, v20;
	v21 =	vsel vm4, v33, v21;
	v33 =	vmul.f32 v34, v34;
	v30 =	vld.idx.msk [tilespmem:v5+s19+$0x0 ss:$0x1], $0xffff  }
0xb0: {  	v19 =	vsel vm3, v35, v19;
	v28 =	vadd.f32 v28, v38;
	v29 =	vsub.f32 v36, v8;
	v32 =	vld.idx.msk [tilespmem:v6+s19+$0xFFFFFFF0 ss:$0x1], $0xffff  }
0xb1: {  	vm3 =	vmmov vm2;
	vm2 =	vgt.f32 v15, v16;
	v33 =	vadd.f32 v33, v37;
	v24 =	vld.idx.msk [tilespmem:v5+s18+$0x10 ss:$0x1], $0xffff  }
0xb2: {  	v34 =	vld [tilespmem:s21+$0x18000];
	_ =	sdelay $0x4  }
0xb3: {  	v28 =	vmin.f32 v34, v28  }
0xb4: {  	[tilespmem:s21+$0x18000] =	vst v28  }
0xb5: {  	v41 =	vld.idx.msk [tilespmem:v4+s21+$0xFFFFFFF0 ss:$0x1], $0xffff  }
0xb6: {  	v35 =	vld.idx.msk [tilespmem:v5+s21+$0xFFFFFFF0 ss:$0x1], $0xffff;
	_ =	sdelay $0x1  }
0xb7: {  	v27 =	vsub.f32 v27, v10;
	v25 =	vsub.f32 v25, v9;
	v29 =	vmul.f32 v29, v29;
	v36 =	vld.idx.msk [tilespmem:v6+s21+$0xFFFFFFE0 ss:$0x1], $0xffff  }
0xb8: {  	v26 =	vsub.f32 v26, v9;
	v50 =	vadd.s32 $0x20, v12;
	v23 =	vadd.s32 $0x30, v23  }
0xb9: {  	v15 =	vsel vm2, v15, v16;
	v27 =	vmul.f32 v27, v27;
	v25 =	vmul.f32 v25, v25  }
0xba: {  	v37 =	vld [tilespmem:s20+$0x18010];
	v14 =	vsel vm1, v13, v14;
	v35 =	vsub.f32 v35, v10;
	v34 =	vsub.f32 v41, v9  }
0xbb: {  	vm3 =	vmmov vm3;
	vm2 =	vmmov vm2;
	v25 =	vadd.f32 v27, v25  }
0xbc: {  	v36 =	vsub.f32 v36, v8;
	v35 =	vmul.f32 v35, v35;
	v34 =	vmul.f32 v34, v34  }
0xbd: {  	v43 =	vld [tilespmem:s21+$0x18010];
	v38 =	vadd.s32 $0x30, v13;
	v31 =	vsub.f32 v31, v9;
	v25 =	vadd.f32 v29, v25  }
0xbe: {  	v18 =	vmin.f32 v18, v33;
	v45 =	vmul.f32 v36, v36;
	v34 =	vadd.f32 v35, v34  }
0xbf: {  	v46 =	vld.idx.msk [tilespmem:v6+s18+$0x0 ss:$0x1], $0xffff;
	v14 =	vsel vm3, v12, v14;
	v30 =	vsub.f32 v30, v10;
	v25 =	vmin.f32 v37, v25  }
0xc0: {  	v42 =	vld [tilespmem:s19+$0x18020];
	vm13 =	vgt.f32 v18, v11;
	v26 =	vmul.f32 v26, v26;
	[tilespmem:s20+$0x18010] =	vst v25;
	v47 =	vadd.f32 v45, v34  }
0xc1: {  	v32 =	vsub.f32 v32, v8;
	v31 =	vmul.f32 v31, v31;
	v30 =	vmul.f32 v30, v30;
	v48 =	vld.idx.msk [tilespmem:v4+s20+$0x0 ss:$0x1], $0xffff  }
0xc2: {  	v22 =	vsel vm13, v23, v22;
	v24 =	vsub.f32 v24, v10;
	v49 =	vld.idx.msk [tilespmem:v5+s20+$0x0 ss:$0x1], $0xffff;
	v29 =	vmin.f32 v43, v47  }
0xc3: {  	vm2 =	vmmov vm2;
	v44 =	vmul.f32 v32, v32;
	v30 =	vadd.f32 v30, v31;
	v52 =	vld.idx.msk [tilespmem:v6+s20+$0xFFFFFFF0 ss:$0x1], $0xffff;
	[tilespmem:s21+$0x18010] =	vst v29  }
0xc4: {  	v11 =	vsel vm13, v18, v11;
	v32 =	vadd.s32 $0x40, v12;
	v56 =	vsub.f32 v46, v8;
	v53 =	vld.idx.msk [tilespmem:v4+s21+$0x0 ss:$0x1], $0xffff  }
0xc5: {  	v51 =	vadd.s32 $0x10, v32;
	v24 =	vmul.f32 v24, v24;
	v30 =	vadd.f32 v44, v30;
	v54 =	vld.idx.msk [tilespmem:v5+s21+$0x0 ss:$0x1], $0xffff  }
0xc6: {  	vm1 =	vgt.f32 v28, v15;
	v14 =	vsel vm2, v32, v14;
	vm12 =	vgt.f32 v25, v17  }
0xc7: {  	v27 =	vmin.f32 v42, v30;
	v55 =	vsub.f32 v48, v9;
	v30 =	vsub.f32 v49, v10;
	v58 =	vld.idx.msk [tilespmem:v6+s21+$0xFFFFFFF0 ss:$0x1], $0xffff  }
0xc8: {  	v33 =	vmul.f32 v56, v56;
	v57 =	vadd.f32 v24, v26;
	v17 =	vsel vm12, v25, v17  }
0xc9: {  	v60 =	vsub.f32 v52, v8;
	v23 =	vmul.f32 v55, v55;
	v30 =	vmul.f32 v30, v30  }
0xca: {  	v62 =	vld [tilespmem:s20+$0x18020];
	vm4 =	vgt.f32 v27, v20;
	v31 =	vsub.f32 v53, v9;
	v25 =	vsub.f32 v54, v10  }
0xcb: {  	[tilespmem:s19+$0x18020] =	vst v27;
	v20 =	vsel vm4, v27, v20;
	v27 =	vmul.f32 v60, v60;
	v23 =	vadd.f32 v30, v23  }
0xcc: {  	v59 =	vld [tilespmem:s18+$0x18030];
	v24 =	vsub.f32 v58, v8;
	v31 =	vmul.f32 v31, v31;
	v25 =	vmul.f32 v25, v25  }
0xcd: {  	v15 =	vsel vm1, v28, v15;
	vm1 =	vmmov vm1;
	v37 =	vld [tilespmem:s21+$0x18020];
	v23 =	vadd.f32 v27, v23  }
0xce: {  	v44 =	vadd.s32 $0x40, v32;
	v63 =	vld.idx.msk [tilespmem:v5+s19+$0x10 ss:$0x1], $0xffff;
	v24 =	vmul.f32 v24, v24;
	v25 =	vadd.f32 v25, v31  }
0xcf: {  	vm1 =	vmmov vm1;
	v16 =	vadd.f32 v33, v57;
	v36 =	vld.idx.msk [tilespmem:v6+s19+$0x0 ss:$0x1], $0xffff;
	v23 =	vmin.f32 v62, v23  }
0xd0: {  	v46 =	vadd.s32 $0x20, v32;
	v14 =	vsel vm1, v44, v14;
	v61 =	vld.idx.msk [tilespmem:v4+s19+$0x10 ss:$0x1], $0xffff;
	[tilespmem:s20+$0x18020] =	vst v23;
	v24 =	vadd.f32 v24, v25  }
0xd1: {  	v19 =	vsel vm12, v51, v19;
	v57 =	vadd.s32 $0x30, v12;
	v16 =	vmin.f32 v59, v16;
	v41 =	vld.idx.msk [tilespmem:v4+s20+$0x10 ss:$0x1], $0xffff  }
0xd2: {  	v21 =	vsel vm4, v50, v21;
	vm3 =	vgt.f32 v16, v11;
	v43 =	vld.idx.msk [tilespmem:v5+s20+$0x10 ss:$0x1], $0xffff;
	v24 =	vmin.f32 v37, v24  }
0xd3: {  	v50 =	vadd.s32 $0x10, v44;
	v59 =	vadd.s32 $0x20, v44;
	v11 =	vsel vm3, v16, v11;
	v45 =	vld.idx.msk [tilespmem:v6+s20+$0x0 ss:$0x1], $0xffff;
	[tilespmem:s21+$0x18020] =	vst v24  }
0xd4: {  	v13 =	vsel vm3, v38, v22;
	v40 =	vsub.f32 v63, v10;
	v42 =	vsub.f32 v36, v8;
	v47 =	vld.idx.msk [tilespmem:v4+s21+$0x10 ss:$0x1], $0xffff  }
0xd5: {  	v39 =	vsub.f32 v61, v9;
	v61 =	vadd.s32 $0x30, v32;
	vm3 =	vgt.f32 v29, v17;
	v48 =	vld.idx.msk [tilespmem:v5+s21+$0x10 ss:$0x1], $0xffff  }
0xd6: {  	v26 =	vmul.f32 v40, v40;
	v22 =	vmul.f32 v42, v42;
	v17 =	vsel vm3, v29, v17  }
0xd7: {  	v51 =	vsub.f32 v41, v9;
	v27 =	vsub.f32 v43, v10;
	v25 =	vmul.f32 v39, v39;
	v52 =	vld.idx.msk [tilespmem:v6+s21+$0x0 ss:$0x1], $0xffff  }
0xd8: {  	v49 =	vld [tilespmem:s19+$0x18030];
	v19 =	vsel vm3, v50, v19;
	vm14 =	vgt.f32 v23, v20;
	v53 =	vsub.f32 v45, v8  }
0xd9: {  	v54 =	vmul.f32 v27, v27;
	v55 =	vmul.f32 v51, v51;
	v25 =	vadd.f32 v26, v25  }
0xda: {  	v56 =	vld [tilespmem:s20+$0x18030];
	v20 =	vsel vm14, v23, v20;
	v9 =	vsub.f32 v47, v9;
	v10 =	vsub.f32 v48, v10  }
0xdb: {  	v23 =	vmul.f32 v53, v53;
	v22 =	vadd.f32 v22, v25;
	v25 =	vadd.f32 v54, v55  }
0xdc: {  	v8 =	vsub.f32 v52, v8;
	v10 =	vmul.f32 v10, v10;
	v9 =	vmul.f32 v9, v9  }
0xdd: {  	v62 =	vadd.s32 $0x30, v44;
	v58 =	vld [tilespmem:s21+$0x18030];
	v22 =	vmin.f32 v49, v22;
	v23 =	vadd.f32 v23, v25  }
0xde: {  	vm2 =	vgt.f32 v22, v11;
	v8 =	vmul.f32 v8, v8;
	v9 =	vadd.f32 v10, v9  }
0xdf: {  	v21 =	vsel vm14, v46, v21;
	v60 =	vmin.f32 v56, v23;
	v10 =	vsel vm2, v22, v11  }
0xe0: {  	v11 =	vsel vm2, v57, v13;
	vm2 =	vgt.f32 v24, v20;
	v8 =	vadd.f32 v8, v9  }
0xe1: {  	v12 =	vsel vm2, v59, v21;
	v9 =	vsel vm2, v24, v20;
	vm2 =	vgt.f32 v60, v10  }
0xe2: {  	vm1 =	vgt.f32 v17, v15;
	v10 =	vsel vm2, v60, v10;
	v8 =	vmin.f32 v58, v8  }
0xe3: {  	vm3 =	vlt.s32 v19, v14;
	v11 =	vsel vm2, v61, v11;
	vm2 =	vgt.f32 v8, v10  }
0xe4: {  	v10 =	vsel vm2, v8, v10;
	v11 =	vsel vm2, v62, v11;
	vm2 =	veq.f32 v17, v15  }
0xe5: {  	vm2 =	vmand vm2, vm3;
	vm3 =	veq.f32 v10, v9;
	vm15 =	vlt.s32 v11, v12  }
0xe6: {  	vm1 =	vmor vm1, vm2;
	vm2 =	vgt.f32 v10, v9;
	vm3 =	vmand vm3, vm15  }
0xe7: {  	v15 =	vsel vm1, v17, v15;
	vm2 =	vmor vm2, vm3  }
0xe8: {  	v14 =	vsel vm1, v19, v14;
	v9 =	vsel vm2, v10, v9;
	v10 =	vsel vm2, v11, v12  }
0xe9: {  	vm1 =	veq.f32 v9, v15;
	vm2 =	vlt.s32 v10, v14  }
0xea: {  	vm3 =	vgt.f32 v9, v15;
	vm1 =	vmand vm1, vm2  }
0xeb: {  	vm1 =	vmor vm3, vm1  }
0xec: {  	v9 =	vsel vm1, v9, v15  }
0xed: {  	(xrf0) =	vmax.scan.msk.f32 $0xffff, v9;
	_ =	sdelay $0x5  }
0xee: {  	v11, _, _ =	vpop (xrf0)  }
0xef: {  	v63 =	vbroadcast v11, $0xF  }
0xf0: {  	v10 =	vsel vm1, v10, v14  }
0xf1: {  	vm1 =	veq.f32 v9, v63;
	v9 =	vxor.u32 $0x80000000, v10  }
0xf2: {  	v9 =	vnsel vm1, $0x80008000, v9  }
0xf3: {  	(xrf0) =	vmin.scan.msk.u32 $0xffff, v9;
	_ =	sdelay $0x5  }
0xf4: {  	(v2sf) =	vpush v11, $0xF;
	v9, _, _ =	vpop (xrf0)  }
0xf5: {  	(v2sf) =	vpush v9, $0xF;
	_ =	sdelay $0xd  }
0xf6: {  	s22 =	spop (v2sf)  }
0xf7: {  	s16 =	sadd.s32 $0x1, s16;
	s23 =	spop (v2sf)  }
0xf8: {  	[tilespmem:s17+$0x18030] =	vst v18;
	s17 =	sxor.u32 $0x80000000, s23;
	s23 =	scvt.s32.f32 s16  }
0xf9: {  	[tilespmem:s18+$0x18030] =	vst v16;
	s30 =	scvt.s32.f32 s17  }
0xfa: {  	[tilespmem:s19+$0x18030] =	vst v22;
	vm1 =	veq.s32 v0, $0x1;
	v9 =	vmov s23  }
0xfb: {  	[tilespmem:s20+$0x18030] =	vst v60;
	v9 =	vsel vm1, s30, v9  }
0xfc: {  	[tilespmem:s21+$0x18030] =	vst v8;
	v8 =	vsel vm0, v63, v9  }
0xfd: {  	[tilespmem:$0x1C200] =	vst v8  }
0xfe: {  	[spmem:s6] =	stream.linear.scatter [tilespmem:s13], [sflag:$0x1], $0x10, $0x38;
	[tilespmem:$0x1C340] =	vst v63  }
0xff: {  	_ =	swait.ge [sflag:s10], $0x10  }
0x100: {  	[sflag:s10] =	ssyncset.done $0x0  }
0x101: {  	[sflag:s10] =	ssyncadd.s32 $0xFFFFFFF0  }
0x102: {  	[tilespmem:s14], [sflag:$0x1] =	stream.linear.gather [spmem:s7], $0x10, $0x38;
	[tilespmem:$0x1C340] =	vst v63  }
0x103: {  	_ =	swait.ge [sflag:s10], $0x10  }
0x104: {  	[sflag:s10] =	ssyncset.done $0x0  }
0x105: {  	[sflag:s10] =	ssyncadd.s32 $0xFFFFFFF0  }
0x106: {  	v8 =	vld [tilespmem:$0x1C280];
	_ =	sdelay $0x4  }
0x107: {  	(v2sf) =	vpush v8, $0x2;
	_ =	sdelay $0xe  }
0x108: {  	s31 =	spop (v2sf)  }
0x109: {  	p1 =	slt.f32 s31, s23;
	p2 =	sgt.f32 s31, s23  }
0x10a: {  	_ = 	snop  }
0x10b: {  	p1 =	por p2, p1  }
0x10c: {  	p1 =	por !p1, !p1  }
.Ltmp6:
0x10d: {  	_ = 	snop;
	(pc) =	sbr.rel @p1 .LBB2_8-.Ltmp6, $1  }
0x10e: {  	_ =	sdelay $0x3  }
.LBB2_7:
0x10f: {  	[tilespmem:s14], [sflag:$0x1] =	stream.linear.gather [spmem:s7], $0x10, $0x38;
	[tilespmem:$0x1C340] =	vst v63  }
0x110: {  	_ =	swait.ge [sflag:s10], $0x10  }
0x111: {  	[sflag:s10] =	ssyncset.done $0x0  }
0x112: {  	[sflag:s10] =	ssyncadd.s32 $0xFFFFFFF0  }
0x113: {  	v8 =	vld [tilespmem:$0x1C280];
	_ =	sdelay $0x4  }
0x114: {  	(v2sf) =	vpush v8, $0x2;
	_ =	sdelay $0xe  }
0x115: {  	s18 =	spop (v2sf)  }
0x116: {  	p1 =	slt.f32 s18, s23;
	p2 =	sgt.f32 s18, s23  }
0x117: {  	_ = 	snop  }
0x118: {  	p1 =	por p2, p1  }
.Ltmp7:
0x119: {  	_ = 	snop;
	(pc) =	sbr.rel @p1 .LBB2_7-.Ltmp7, $1  }
0x11a: {  	_ =	sdelay $0x3  }
.Ltmp8:
0x11b: {  	_ = 	snop;
	(pc) =	sbr.rel .LBB2_8-.Ltmp8, $1  }
0x11c: {  	_ =	sdelay $0x3  }
.LBB2_10:
0x11d: {  	_ =	sfence.sel $0x180000  }
0x11e: {  	[bflag:$0x0] =	sbarrier.arrive $0xFFFF  }
0x11f: {  	p0 =	sne.s32 s0, $0x0;
	_ =	strace $0x90000047  }
0x120: {  	s0 =	sadd.s32 @!p0 $0x100000, s1;
	[bflag:$0x2] =	sbarrier.arrive $0xFFFF  }
0x121: {  	[sflag:s0] =	ssyncadd.tile.s32 @!p0 $0x1;
	_ =	shalt  }
.Lfunc_end2:
_tile_overlayer_lowered:
.L_overlay_start_2:
0x122: {  	(tag) =	ssettag $0x2  }
0x123: {  	s0 =	rddreg [dreg:$0x0];
	s2 =	stileid.u32  }
0x124: {  	s1 =	rddreg [dreg:$0x1];
	p0 =	sne.s32 s2, $0x0  }
0x125: {  	s3 =	rddreg [dreg:$0x2];
	[bflag:$0x3] =	sbarrier.arrive $0xFFFF;
	s2 =	simm.s32 @!p0 $0x1C01  }
0x126: {  	[timem:s3], [sflag:s2] =	dma.local @!p0 [hbm:s0], s1  }
0x127: {  	s0 =	simm.s32 @!p0 $0x1  }
0x128: {  	_ =	swait.ge @!p0 [sflag:s0], s1  }
0x129: {  	s1 =	ssub.s32 @!p0 $0x0, s1;
	[sflag:s0] =	ssyncset.done @!p0 $0x0  }
0x12a: {  	[sflag:s0] =	ssyncadd.s32 @!p0 s1  }
0x12b: {  	[bflag:$0x3] =	sbarrier.arrive $0xFFFF  }
0x12c: {  	_ =	shalt  }

</sc_bundles>
